<compile_context>
chip_gen: v7x
topology: tpu7x:2x2x1
jax: 0.10.2.dev20260603
libtpu: 0.0.44.dev20260713+nightly
codegen_flags: <defaults>
</compile_context>

<pallas_src>
import functools

import jax
import jax.numpy as jnp
from jax import lax
from jax.experimental import pallas as pl
from jax.experimental.pallas import tpu as pltpu
from jax.experimental.pallas import tpu_sc as plsc

_N = 3136
_D = 128
_K = 8192

_NW = 32
_B_PAD = 3328
_BPW = _B_PAD // _NW

_T2_TAPS = {0: ((1, 1), (3, 0)), 1: ((0, 2), (2, 1))}


_CH = 1024
_NK = _K // _CH


def _vq_body(z_ref, z2_ref, cb_ref, w2_ref, idx_ref, rmin_ref, rtile_ref):
    k = pl.program_id(0)

    z = z_ref[...]
    cb = cb_ref[...]
    z2 = z2_ref[...]
    w2 = w2_ref[...]
    dot = lax.dot_general(z, cb, (((1,), (1,)), ((), ())),
                          preferred_element_type=jnp.float32)

    nt = _CH // 128
    vals = [(z2 - 2.0 * dot[:, j * 128:(j + 1) * 128])
            + w2[:, j * 128:(j + 1) * 128] for j in range(nt)]
    base = k * nt
    idxs = list(range(nt))
    first = True
    while len(vals) > 1:
        nv, ni = [], []
        for p in range(0, len(vals), 2):
            a, b = vals[p], vals[p + 1]
            cmp = b < a
            nv.append(jnp.where(cmp, b, a))
            if first:
                ni.append(jnp.where(cmp, base + idxs[p + 1], base + idxs[p]))
            else:
                ni.append(jnp.where(cmp, idxs[p + 1], idxs[p]))
        vals, idxs, first = nv, ni, False

    @pl.when(k == 0)
    def _():
        rmin_ref[...] = vals[0]
        rtile_ref[...] = idxs[0]

    @pl.when(k > 0)
    def _():
        cmp = vals[0] < rmin_ref[...]
        rtile_ref[...] = jnp.where(cmp, idxs[0], rtile_ref[...])
        rmin_ref[...] = jnp.where(cmp, vals[0], rmin_ref[...])

    @pl.when(k == _NK - 1)
    def _():
        rmin = rmin_ref[...]
        m = jnp.min(rmin, axis=1, keepdims=True)
        lane = lax.broadcasted_iota(jnp.int32, (_N, 128), 1)
        gidx = rtile_ref[...] * 128 + lane
        sel = jnp.where(rmin == m, gidx, _K)
        idx_ref[...] = jnp.min(sel, axis=1, keepdims=True)


def _vq_argmin(z_flat, z2, codebook, w2):
    return pl.pallas_call(
        _vq_body,
        grid=(_NK,),
        in_specs=[
            pl.BlockSpec((_N, _D), lambda k: (0, 0)),
            pl.BlockSpec((_N, 1), lambda k: (0, 0)),
            pl.BlockSpec((_CH, _D), lambda k: (k, 0)),
            pl.BlockSpec((1, _CH), lambda k: (0, k)),
        ],
        out_specs=pl.BlockSpec((_N, 1), lambda k: (0, 0)),
        out_shape=jax.ShapeDtypeStruct((_N, 1), jnp.int32),
        scratch_shapes=[
            pltpu.VMEM((_N, 128), jnp.float32),
            pltpu.VMEM((_N, 128), jnp.int32),
        ],
    )(z_flat, z2, codebook, w2)


def _sc_gather(codebook, idx_pad):
    mesh = plsc.VectorSubcoreMesh(core_axis_name="c", subcore_axis_name="s")

    @functools.partial(
        pl.kernel,
        out_type=jax.ShapeDtypeStruct((_B_PAD, _D), jnp.float32),
        mesh=mesh,
        scratch_types=[
            pltpu.VMEM((_BPW,), jnp.int32),
            pltpu.VMEM((_BPW, _D), jnp.float32),
            pltpu.SemaphoreType.DMA,
        ],
    )
    def gather_kernel(table_hbm, idx_hbm, out_hbm, idx_v, rows_v, sem):
        wid = lax.axis_index("s") * 2 + lax.axis_index("c")
        base = wid * _BPW
        pltpu.sync_copy(idx_hbm.at[pl.ds(base, _BPW)], idx_v)
        pltpu.async_copy(table_hbm.at[idx_v], rows_v, sem).wait()
        pltpu.sync_copy(rows_v, out_hbm.at[pl.ds(base, _BPW)])

    return gather_kernel(codebook, idx_pad)


def _dec_body(e3p_ref, w1_ref, b1_ref, wt2_ref, bt2_ref, out_ref, d1p_ref):
    acc = jnp.zeros((_N, _D), jnp.float32)
    for t in range(9):
        kh, kw = t // 3, t % 3
        x = e3p_ref[kh:kh + 56, kw:kw + 56, :].reshape(_N, _D)
        acc = acc + jnp.dot(x, w1_ref[t], preferred_element_type=jnp.float32)
    d1 = jnp.maximum(acc + b1_ref[...], 0.0)

    d1p_ref[...] = jnp.zeros((58, 58, _D), jnp.float32)
    d1p_ref[1:57, 1:57, :] = d1.reshape(56, 56, _D)

    for a in range(2):
        for b in range(2):
            acc2 = jnp.zeros((_N, 64), jnp.float32)
            for kh, roff in _T2_TAPS[a]:
                for kw, coff in _T2_TAPS[b]:
                    x = d1p_ref[roff:roff + 56, coff:coff + 56, :].reshape(_N, _D)
                    w = wt2_ref[kh * 4 + kw]
                    acc2 = acc2 + jnp.dot(x, w, preferred_element_type=jnp.float32)
            out_ref[a * 2 + b] = jnp.maximum(acc2 + bt2_ref[...], 0.0)


def _dec_pallas(e3pad, w1t, b1, wt2t, bt2):
    return pl.pallas_call(
        _dec_body,
        out_shape=jax.ShapeDtypeStruct((4, _N, 64), jnp.float32),
        scratch_shapes=[pltpu.VMEM((58, 58, _D), jnp.float32)],
    )(e3pad, w1t, b1, wt2t, bt2)


def _conv(x, W, b, stride, pad):
    y = lax.conv_general_dilated(x, W, (stride, stride), ((pad, pad), (pad, pad)),
                                 dimension_numbers=('NCHW', 'OIHW', 'NCHW'))
    return y + b[None, :, None, None]


def _conv_t(x, W, b, stride, pad):
    kh = W.shape[2]
    Wc = jnp.transpose(W, (1, 0, 2, 3))[:, :, ::-1, ::-1]
    p = kh - 1 - pad
    y = lax.conv_general_dilated(x, Wc, (1, 1), ((p, p), (p, p)),
                                 lhs_dilation=(stride, stride),
                                 dimension_numbers=('NCHW', 'OIHW', 'NCHW'))
    return y + b[None, :, None, None]


def _bn(x, g, bta, eps=1e-5):
    m = x.mean(axis=(0, 2, 3), keepdims=True)
    v = ((x - m) ** 2).mean(axis=(0, 2, 3), keepdims=True)
    return g[None, :, None, None] * (x - m) / jnp.sqrt(v + eps) + bta[None, :, None, None]


def kernel(x, enc_w1, enc_b1, bn1_g, bn1_b, enc_w2, enc_b2, bn2_g, bn2_b,
           enc_w3, enc_b3, codebook, dec_w1, dec_b1, dec_wt2, dec_bt2,
           dec_wt3, dec_bt3):
    h = jax.nn.relu(_bn(_conv(x, enc_w1, enc_b1, 2, 1), bn1_g, bn1_b))
    h = jax.nn.relu(_bn(_conv(h, enc_w2, enc_b2, 2, 1), bn2_g, bn2_b))
    z = _conv(h, enc_w3, enc_b3, 1, 1)
    B, C, H, W = z.shape
    z_flat = z.reshape(_N, _D)
    z2 = (z_flat ** 2).sum(-1, keepdims=True)
    w2 = (codebook ** 2).sum(-1)[None, :]
    e_indices = _vq_argmin(z_flat, z2, codebook, w2).reshape(1, _N)

    idx_pad = jnp.concatenate(
        [e_indices[0], jnp.zeros((_B_PAD - _N,), jnp.int32)])
    e = _sc_gather(codebook, idx_pad)[:_N]
    e_out = e[None]

    e3pad = jnp.zeros((58, 58, _D), jnp.float32).at[1:57, 1:57, :].set(
        e.reshape(56, 56, _D))
    w1t = jnp.stack([dec_w1[:, :, t // 3, t % 3].T for t in range(9)])
    wt2t = jnp.stack([dec_wt2[:, :, t // 4, t % 4] for t in range(16)])
    q = _dec_pallas(e3pad, w1t, dec_b1[None, :], wt2t, dec_bt2[None, :])

    x2 = q.reshape(2, 2, 56, 56, 64).transpose(4, 2, 0, 3, 1).reshape(1, 64, 112, 112)

    x_hat = jax.nn.sigmoid(_conv_t(x2, dec_wt3, dec_bt3, 2, 1))
    return (x_hat, e_out, e_indices)

# --- scband reference (transcript-rebuilt; emitter-appended) ---
"""Pipeline reference for scband-model-15126874816812 (READ-ONLY COPY).

The authoritative reference and input builder live on the scoring server;
editing this copy changes nothing except your own understanding.
"""

import jax, jax.numpy as jnp
import numpy as np

L = 3
K = 8192
D = 128


def conv(x, W, b, stride, pad):
    y = jax.lax.conv_general_dilated(x, W, (stride, stride), ((pad, pad), (pad, pad)),
                                     dimension_numbers=('NCHW', 'OIHW', 'NCHW'))
    return y + b[None, :, None, None]


def conv_t(x, W, b, stride, pad):
    # torch ConvTranspose2d(weight [in,out,kh,kw]) as dilated conv with flipped kernel
    kh = W.shape[2]
    Wc = jnp.transpose(W, (1, 0, 2, 3))[:, :, ::-1, ::-1]
    p = kh - 1 - pad
    y = jax.lax.conv_general_dilated(x, Wc, (1, 1), ((p, p), (p, p)),
                                     lhs_dilation=(stride, stride),
                                     dimension_numbers=('NCHW', 'OIHW', 'NCHW'))
    return y + b[None, :, None, None]


def bn(x, g, bta, eps=1e-5):
    m = x.mean(axis=(0, 2, 3), keepdims=True)
    v = ((x - m) ** 2).mean(axis=(0, 2, 3), keepdims=True)
    return g[None, :, None, None] * (x - m) / jnp.sqrt(v + eps) + bta[None, :, None, None]


def setup_inputs(seed: int = 0) -> dict:
    key = jax.random.key(seed)
    ks = jax.random.split(key, 20)
    s = 0.02
    inp = {}
    inp['x'] = jax.random.uniform(ks[0], (1, L, 224, 224), dtype=jnp.float32)
    inp['enc_w1'] = jax.random.normal(ks[1], (64, L, 4, 4), dtype=jnp.float32) * s
    inp['enc_b1'] = jnp.zeros((64,), jnp.float32)
    inp['bn1_g'] = jnp.ones((64,), jnp.float32)
    inp['bn1_b'] = jnp.zeros((64,), jnp.float32)
    inp['enc_w2'] = jax.random.normal(ks[2], (128, 64, 4, 4), dtype=jnp.float32) * s
    inp['enc_b2'] = jnp.zeros((128,), jnp.float32)
    inp['bn2_g'] = jnp.ones((128,), jnp.float32)
    inp['bn2_b'] = jnp.zeros((128,), jnp.float32)
    inp['enc_w3'] = jax.random.normal(ks[3], (128, 128, 3, 3), dtype=jnp.float32) * s
    inp['enc_b3'] = jnp.zeros((128,), jnp.float32)
    inp['codebook'] = jax.random.normal(ks[4], (K, D), dtype=jnp.float32)
    inp['dec_w1'] = jax.random.normal(ks[5], (128, D, 3, 3), dtype=jnp.float32) * s
    inp['dec_b1'] = jnp.zeros((128,), jnp.float32)
    inp['dec_wt2'] = jax.random.normal(ks[6], (128, 64, 4, 4), dtype=jnp.float32) * s
    inp['dec_bt2'] = jnp.zeros((64,), jnp.float32)
    inp['dec_wt3'] = jax.random.normal(ks[7], (64, L, 4, 4), dtype=jnp.float32) * s
    inp['dec_bt3'] = jnp.zeros((L,), jnp.float32)
    return inp


def reference(x, enc_w1, enc_b1, bn1_g, bn1_b, enc_w2, enc_b2, bn2_g, bn2_b,
              enc_w3, enc_b3, codebook, dec_w1, dec_b1, dec_wt2, dec_bt2,
              dec_wt3, dec_bt3):
    # encoder
    h = jax.nn.relu(bn(conv(x, enc_w1, enc_b1, 2, 1), bn1_g, bn1_b))
    h = jax.nn.relu(bn(conv(h, enc_w2, enc_b2, 2, 1), bn2_g, bn2_b))
    z = conv(h, enc_w3, enc_b3, 1, 1)
    B, C, H, W = z.shape
    # quantize (faithful to z.view(B, -1, C)), distances via expanded L2 (same math)
    z_flat = z.reshape(B, -1, C)
    z2 = (z_flat ** 2).sum(-1, keepdims=True)
    w2 = (codebook ** 2).sum(-1)
    distances = z2 - 2.0 * jnp.einsum('bnd,kd->bnk', z_flat, codebook) + w2[None, None, :]
    e_indices = jnp.argmin(distances, axis=2)
    e = jnp.take(codebook, e_indices, axis=0)  # [B, H*W, D]
    # decoder (e arranged to NCHW)
    e_img = jnp.transpose(e, (0, 2, 1)).reshape(B, D, H, W)
    d = jax.nn.relu(conv(e_img, dec_w1, dec_b1, 1, 1))
    d = jax.nn.relu(conv_t(d, dec_wt2, dec_bt2, 2, 1))
    x_hat = jax.nn.sigmoid(conv_t(d, dec_wt3, dec_bt3, 2, 1))
    return (x_hat, e, e_indices)

if __name__ == "__main__":
    import jax
    _d = setup_inputs()
    print(jax.jit(kernel)(*tuple(_d.values())))

</pallas_src>

<mosaic_0001>
#map = affine_map<(d0, d1) -> (0, 0)>
#map1 = affine_map<(d0, d1) -> (0)>
module attributes {stable_mosaic.version = 14 : i64} {
  func.func @gather_kernel(%arg0: i32, %arg1: i32, %arg2: memref<8192x128xf32, #tpu.memory_space<hbm>>, %arg3: memref<3328xi32, #tpu.memory_space<hbm>>, %arg4: memref<3328x128xf32, #tpu.memory_space<hbm>>, %arg5: memref<104xi32, #tpu.memory_space<vmem>>, %arg6: memref<104x128xf32, #tpu.memory_space<vmem>>, %arg7: memref<!tpu.dma_semaphore, #tpu.memory_space<semaphore_mem>>) attributes {dimension_semantics = [#tpu.dimension_semantics<core_parallel>, #tpu.dimension_semantics<subcore_parallel>], iteration_bounds = array<i64: 2, 16>, scalar_prefetch = 0 : i64, scratch_operands = 3 : i64, tpu.core_type = #tpu.core_type<sc_vector_subcore>, window_params = [{transform_indices = #map}, {transform_indices = #map1}, {transform_indices = #map}]} {
    %mul3A = arith.constant 2 : i32
    %mul3A_0 = arith.muli %arg1, %mul3A : i32
    %add3A = arith.addi %mul3A_0, %arg0 : i32
    %mul3A_1 = arith.constant 104 : i32
    %mul3A_2 = arith.muli %add3A, %mul3A_1 : i32
    "tpu.region"() ({
      %run_scoped3A = tpu.sem_alloc : memref<!tpu.dma_semaphore, #tpu.memory_space<semaphore_mem>>
      %dma_start3A_7 = tpu.memref_slice %arg3[%mul3A_2] : memref<3328xi32, #tpu.memory_space<hbm>> -> memref<104xi32, #tpu.memory_space<hbm>>
      %dma_start3A_8 = tpu.memref_slice %arg3[%mul3A_2] : memref<3328xi32, #tpu.memory_space<hbm>> -> memref<104xi32, #tpu.memory_space<hbm>>
      tpu.enqueue_dma source(%dma_start3A_8 : memref<104xi32, #tpu.memory_space<hbm>>) target(%arg5 : memref<104xi32, #tpu.memory_space<vmem>>) target_semaphore(%run_scoped3A : memref<!tpu.dma_semaphore, #tpu.memory_space<semaphore_mem>>)
      %dma_wait3A_9 = tpu.memref_slice %arg3[%mul3A_2] : memref<3328xi32, #tpu.memory_space<hbm>> -> memref<104xi32, #tpu.memory_space<hbm>>
      %dma_wait3A_10 = tpu.memref_slice %arg3[%mul3A_2] : memref<3328xi32, #tpu.memory_space<hbm>> -> memref<104xi32, #tpu.memory_space<hbm>>
      tpu.wait_dma2 semaphore(%run_scoped3A : memref<!tpu.dma_semaphore, #tpu.memory_space<semaphore_mem>>) src(%dma_wait3A_10 : memref<104xi32, #tpu.memory_space<hbm>>) dst(%arg5 : memref<104xi32, #tpu.memory_space<vmem>>)
      tpu.yield
    }) : () -> ()
    %dma_start3A = arith.constant 0 : i32
    %dma_start3A_3 = arith.constant 0 : i32
    %dma_start3A_4 = tpu.memref_slice %arg2[%dma_start3A, %dma_start3A_3] : memref<8192x128xf32, #tpu.memory_space<hbm>> -> memref<8192x128xf32, #tpu.memory_space<hbm>>
    tpu.enqueue_indirect_dma source(%dma_start3A_4 : memref<8192x128xf32, #tpu.memory_space<hbm>>) target(%arg6 : memref<104x128xf32, #tpu.memory_space<vmem>>) offsets(%arg5 : memref<104xi32, #tpu.memory_space<vmem>>) semaphore(%arg7 : memref<!tpu.dma_semaphore, #tpu.memory_space<semaphore_mem>>)
    %dma_wait3A = arith.constant 0 : i32
    %dma_wait3A_5 = arith.constant 0 : i32
    %dma_wait3A_6 = tpu.memref_slice %arg2[%dma_wait3A, %dma_wait3A_5] : memref<8192x128xf32, #tpu.memory_space<hbm>> -> memref<8192x128xf32, #tpu.memory_space<hbm>>
    tpu.wait_indirect_dma semaphore(%arg7 : memref<!tpu.dma_semaphore, #tpu.memory_space<semaphore_mem>>) src(%dma_wait3A_6 : memref<8192x128xf32, #tpu.memory_space<hbm>>) dst(%arg6 : memref<104x128xf32, #tpu.memory_space<vmem>>)
    "tpu.region"() ({
      %run_scoped3A = tpu.sem_alloc : memref<!tpu.dma_semaphore, #tpu.memory_space<semaphore_mem>>
      %dma_start3A_7 = arith.constant 0 : i32
      %dma_start3A_8 = tpu.memref_slice %arg4[%mul3A_2, %dma_start3A_7] : memref<3328x128xf32, #tpu.memory_space<hbm>> -> memref<104x128xf32, #tpu.memory_space<hbm>>
      %dma_start3A_9 = arith.constant 0 : i32
      %dma_start3A_10 = tpu.memref_slice %arg4[%mul3A_2, %dma_start3A_9] : memref<3328x128xf32, #tpu.memory_space<hbm>> -> memref<104x128xf32, #tpu.memory_space<hbm>>
      tpu.enqueue_dma source(%arg6 : memref<104x128xf32, #tpu.memory_space<vmem>>) target(%dma_start3A_10 : memref<104x128xf32, #tpu.memory_space<hbm>>) target_semaphore(%run_scoped3A : memref<!tpu.dma_semaphore, #tpu.memory_space<semaphore_mem>>)
      %dma_wait3A_11 = arith.constant 0 : i32
      %dma_wait3A_12 = tpu.memref_slice %arg4[%mul3A_2, %dma_wait3A_11] : memref<3328x128xf32, #tpu.memory_space<hbm>> -> memref<104x128xf32, #tpu.memory_space<hbm>>
      %dma_wait3A_13 = arith.constant 0 : i32
      %dma_wait3A_14 = tpu.memref_slice %arg4[%mul3A_2, %dma_wait3A_13] : memref<3328x128xf32, #tpu.memory_space<hbm>> -> memref<104x128xf32, #tpu.memory_space<hbm>>
      tpu.wait_dma2 semaphore(%run_scoped3A : memref<!tpu.dma_semaphore, #tpu.memory_space<semaphore_mem>>) src(%arg6 : memref<104x128xf32, #tpu.memory_space<vmem>>) dst(%dma_wait3A_14 : memref<104x128xf32, #tpu.memory_space<hbm>>)
      tpu.yield
    }) : () -> ()
    return
  }
}

module attributes {stable_mosaic.version = 14 : i64} {
  func.func @_vq_body(%arg0: i32, %arg1: memref<3136x128xf32, #tpu.memory_space<vmem>>, %arg2: memref<3136x1xf32, #tpu.memory_space<vmem>>, %arg3: memref<1024x128xf32, #tpu.memory_space<vmem>>, %arg4: memref<1x1024xf32, #tpu.memory_space<vmem>>, %arg5: memref<3136x1xi32, #tpu.memory_space<vmem>>, %arg6: memref<3136x128xf32, #tpu.memory_space<vmem>>, %arg7: memref<3136x128xi32, #tpu.memory_space<vmem>>) attributes {dimension_semantics = [#tpu.dimension_semantics<arbitrary>], iteration_bounds = array<i64: 8>, scalar_prefetch = 0 : i64, scratch_operands = 2 : i64, tpu.core_type = #tpu.core_type<tc>, window_params = [{pipeline_mode = #tpu.pipeline_mode<synchronous>, transform_indices = @transform_0, window_bounds = array<i64: 3136, 128>}, {pipeline_mode = #tpu.pipeline_mode<synchronous>, transform_indices = @transform_1, window_bounds = array<i64: 3136, 1>}, {transform_indices = @transform_2, window_bounds = array<i64: 1024, 128>}, {transform_indices = @transform_3, window_bounds = array<i64: 1, 1024>}, {pipeline_mode = #tpu.pipeline_mode<synchronous>, transform_indices = @transform_4, window_bounds = array<i64: 3136, 1>}]} {
    %get3A = arith.constant 0 : index
    %get3A_0 = arith.constant 0 : index
    %get3A_1 = vector.load %arg1[%get3A, %get3A_0] : memref<3136x128xf32, #tpu.memory_space<vmem>>, vector<3136x128xf32>
    %get3A_2 = arith.constant 0 : index
    %get3A_3 = arith.constant 0 : index
    %get3A_4 = vector.load %arg3[%get3A_2, %get3A_3] : memref<1024x128xf32, #tpu.memory_space<vmem>>, vector<1024x128xf32>
    %get3A_5 = arith.constant 0 : index
    %get3A_6 = arith.constant 0 : index
    %get3A_7 = vector.load %arg2[%get3A_5, %get3A_6] : memref<3136x1xf32, #tpu.memory_space<vmem>>, vector<3136x1xf32>
    %get3A_8 = arith.constant 0 : index
    %get3A_9 = arith.constant 0 : index
    %get3A_10 = vector.load %arg4[%get3A_8, %get3A_9] : memref<1x1024xf32, #tpu.memory_space<vmem>>, vector<1x1024xf32>
    %dot_general3A = arith.constant dense<0.000000e+00> : vector<3136x1024xf32>
    %dot_general3A_11 = tpu.matmul %get3A_1, %get3A_4, %dot_general3A {dimension_numbers = #tpu.dot_dimension_numbers<[1], [1], [0], [0], [0, 0, 1, 0], [], []>, transpose_lhs_hint = false} : vector<3136x128xf32>, vector<1024x128xf32>, vector<3136x1024xf32> -> vector<3136x1024xf32>
    %slice3A = vector.extract_strided_slice %dot_general3A_11 {offsets = [0, 0], sizes = [3136, 128], strides = [1, 1]} : vector<3136x1024xf32> to vector<3136x128xf32>
    %mul3A = arith.constant 2.000000e+00 : f32
    %mul3A_12 = vector.broadcast %mul3A : f32 to vector<3136x128xf32>
    %mul3A_13 = arith.mulf %mul3A_12, %slice3A : vector<3136x128xf32>
    %sub3A = vector.broadcast %get3A_7 : vector<3136x1xf32> to vector<3136x128xf32>
    %sub3A_14 = arith.subf %sub3A, %mul3A_13 : vector<3136x128xf32>
    %slice3A_15 = vector.extract_strided_slice %get3A_10 {offsets = [0, 0], sizes = [1, 128], strides = [1, 1]} : vector<1x1024xf32> to vector<1x128xf32>
    %add3A = vector.broadcast %slice3A_15 : vector<1x128xf32> to vector<3136x128xf32>
    %add3A_16 = arith.addf %sub3A_14, %add3A : vector<3136x128xf32>
    %slice3A_17 = vector.extract_strided_slice %dot_general3A_11 {offsets = [0, 128], sizes = [3136, 128], strides = [1, 1]} : vector<3136x1024xf32> to vector<3136x128xf32>
    %mul3A_18 = arith.constant 2.000000e+00 : f32
    %mul3A_19 = vector.broadcast %mul3A_18 : f32 to vector<3136x128xf32>
    %mul3A_20 = arith.mulf %mul3A_19, %slice3A_17 : vector<3136x128xf32>
    %sub3A_21 = vector.broadcast %get3A_7 : vector<3136x1xf32> to vector<3136x128xf32>
    %sub3A_22 = arith.subf %sub3A_21, %mul3A_20 : vector<3136x128xf32>
    %slice3A_23 = vector.extract_strided_slice %get3A_10 {offsets = [0, 128], sizes = [1, 128], strides = [1, 1]} : vector<1x1024xf32> to vector<1x128xf32>
    %add3A_24 = vector.broadcast %slice3A_23 : vector<1x128xf32> to vector<3136x128xf32>
    %add3A_25 = arith.addf %sub3A_22, %add3A_24 : vector<3136x128xf32>
    %slice3A_26 = vector.extract_strided_slice %dot_general3A_11 {offsets = [0, 256], sizes = [3136, 128], strides = [1, 1]} : vector<3136x1024xf32> to vector<3136x128xf32>
    %mul3A_27 = arith.constant 2.000000e+00 : f32
    %mul3A_28 = vector.broadcast %mul3A_27 : f32 to vector<3136x128xf32>
    %mul3A_29 = arith.mulf %mul3A_28, %slice3A_26 : vector<3136x128xf32>
    %sub3A_30 = vector.broadcast %get3A_7 : vector<3136x1xf32> to vector<3136x128xf32>
    %sub3A_31 = arith.subf %sub3A_30, %mul3A_29 : vector<3136x128xf32>
    %slice3A_32 = vector.extract_strided_slice %get3A_10 {offsets = [0, 256], sizes = [1, 128], strides = [1, 1]} : vector<1x1024xf32> to vector<1x128xf32>
    %add3A_33 = vector.broadcast %slice3A_32 : vector<1x128xf32> to vector<3136x128xf32>
    %add3A_34 = arith.addf %sub3A_31, %add3A_33 : vector<3136x128xf32>
    %slice3A_35 = vector.extract_strided_slice %dot_general3A_11 {offsets = [0, 384], sizes = [3136, 128], strides = [1, 1]} : vector<3136x1024xf32> to vector<3136x128xf32>
    %mul3A_36 = arith.constant 2.000000e+00 : f32
    %mul3A_37 = vector.broadcast %mul3A_36 : f32 to vector<3136x128xf32>
    %mul3A_38 = arith.mulf %mul3A_37, %slice3A_35 : vector<3136x128xf32>
    %sub3A_39 = vector.broadcast %get3A_7 : vector<3136x1xf32> to vector<3136x128xf32>
    %sub3A_40 = arith.subf %sub3A_39, %mul3A_38 : vector<3136x128xf32>
    %slice3A_41 = vector.extract_strided_slice %get3A_10 {offsets = [0, 384], sizes = [1, 128], strides = [1, 1]} : vector<1x1024xf32> to vector<1x128xf32>
    %add3A_42 = vector.broadcast %slice3A_41 : vector<1x128xf32> to vector<3136x128xf32>
    %add3A_43 = arith.addf %sub3A_40, %add3A_42 : vector<3136x128xf32>
    %slice3A_44 = vector.extract_strided_slice %dot_general3A_11 {offsets = [0, 512], sizes = [3136, 128], strides = [1, 1]} : vector<3136x1024xf32> to vector<3136x128xf32>
    %mul3A_45 = arith.constant 2.000000e+00 : f32
    %mul3A_46 = vector.broadcast %mul3A_45 : f32 to vector<3136x128xf32>
    %mul3A_47 = arith.mulf %mul3A_46, %slice3A_44 : vector<3136x128xf32>
    %sub3A_48 = vector.broadcast %get3A_7 : vector<3136x1xf32> to vector<3136x128xf32>
    %sub3A_49 = arith.subf %sub3A_48, %mul3A_47 : vector<3136x128xf32>
    %slice3A_50 = vector.extract_strided_slice %get3A_10 {offsets = [0, 512], sizes = [1, 128], strides = [1, 1]} : vector<1x1024xf32> to vector<1x128xf32>
    %add3A_51 = vector.broadcast %slice3A_50 : vector<1x128xf32> to vector<3136x128xf32>
    %add3A_52 = arith.addf %sub3A_49, %add3A_51 : vector<3136x128xf32>
    %slice3A_53 = vector.extract_strided_slice %dot_general3A_11 {offsets = [0, 640], sizes = [3136, 128], strides = [1, 1]} : vector<3136x1024xf32> to vector<3136x128xf32>
    %mul3A_54 = arith.constant 2.000000e+00 : f32
    %mul3A_55 = vector.broadcast %mul3A_54 : f32 to vector<3136x128xf32>
    %mul3A_56 = arith.mulf %mul3A_55, %slice3A_53 : vector<3136x128xf32>
    %sub3A_57 = vector.broadcast %get3A_7 : vector<3136x1xf32> to vector<3136x128xf32>
    %sub3A_58 = arith.subf %sub3A_57, %mul3A_56 : vector<3136x128xf32>
    %slice3A_59 = vector.extract_strided_slice %get3A_10 {offsets = [0, 640], sizes = [1, 128], strides = [1, 1]} : vector<1x1024xf32> to vector<1x128xf32>
    %add3A_60 = vector.broadcast %slice3A_59 : vector<1x128xf32> to vector<3136x128xf32>
    %add3A_61 = arith.addf %sub3A_58, %add3A_60 : vector<3136x128xf32>
    %slice3A_62 = vector.extract_strided_slice %dot_general3A_11 {offsets = [0, 768], sizes = [3136, 128], strides = [1, 1]} : vector<3136x1024xf32> to vector<3136x128xf32>
    %mul3A_63 = arith.constant 2.000000e+00 : f32
    %mul3A_64 = vector.broadcast %mul3A_63 : f32 to vector<3136x128xf32>
    %mul3A_65 = arith.mulf %mul3A_64, %slice3A_62 : vector<3136x128xf32>
    %sub3A_66 = vector.broadcast %get3A_7 : vector<3136x1xf32> to vector<3136x128xf32>
    %sub3A_67 = arith.subf %sub3A_66, %mul3A_65 : vector<3136x128xf32>
    %slice3A_68 = vector.extract_strided_slice %get3A_10 {offsets = [0, 768], sizes = [1, 128], strides = [1, 1]} : vector<1x1024xf32> to vector<1x128xf32>
    %add3A_69 = vector.broadcast %slice3A_68 : vector<1x128xf32> to vector<3136x128xf32>
    %add3A_70 = arith.addf %sub3A_67, %add3A_69 : vector<3136x128xf32>
    %slice3A_71 = vector.extract_strided_slice %dot_general3A_11 {offsets = [0, 896], sizes = [3136, 128], strides = [1, 1]} : vector<3136x1024xf32> to vector<3136x128xf32>
    %mul3A_72 = arith.constant 2.000000e+00 : f32
    %mul3A_73 = vector.broadcast %mul3A_72 : f32 to vector<3136x128xf32>
    %mul3A_74 = arith.mulf %mul3A_73, %slice3A_71 : vector<3136x128xf32>
    %sub3A_75 = vector.broadcast %get3A_7 : vector<3136x1xf32> to vector<3136x128xf32>
    %sub3A_76 = arith.subf %sub3A_75, %mul3A_74 : vector<3136x128xf32>
    %slice3A_77 = vector.extract_strided_slice %get3A_10 {offsets = [0, 896], sizes = [1, 128], strides = [1, 1]} : vector<1x1024xf32> to vector<1x128xf32>
    %add3A_78 = vector.broadcast %slice3A_77 : vector<1x128xf32> to vector<3136x128xf32>
    %add3A_79 = arith.addf %sub3A_76, %add3A_78 : vector<3136x128xf32>
    %mul3A_80 = arith.constant 8 : i32
    %mul3A_81 = arith.muli %arg0, %mul3A_80 : i32
    %lt3A = arith.cmpf olt, %add3A_25, %add3A_16 : vector<3136x128xf32>
    %select_n3A = arith.select %lt3A, %add3A_25, %add3A_16 : vector<3136x128xi1>, vector<3136x128xf32>
    %add3A_82 = arith.constant 1 : i32
    %add3A_83 = arith.addi %mul3A_81, %add3A_82 : i32
    %add3A_84 = arith.constant 0 : i32
    %add3A_85 = arith.addi %mul3A_81, %add3A_84 : i32
    %broadcast_in_dim3A = vector.broadcast %add3A_83 : i32 to vector<3136x128xi32>
    %broadcast_in_dim3A_86 = vector.broadcast %add3A_85 : i32 to vector<3136x128xi32>
    %select_n3A_87 = arith.select %lt3A, %broadcast_in_dim3A, %broadcast_in_dim3A_86 : vector<3136x128xi1>, vector<3136x128xi32>
    %lt3A_88 = arith.cmpf olt, %add3A_43, %add3A_34 : vector<3136x128xf32>
    %select_n3A_89 = arith.select %lt3A_88, %add3A_43, %add3A_34 : vector<3136x128xi1>, vector<3136x128xf32>
    %add3A_90 = arith.constant 3 : i32
    %add3A_91 = arith.addi %mul3A_81, %add3A_90 : i32
    %add3A_92 = arith.constant 2 : i32
    %add3A_93 = arith.addi %mul3A_81, %add3A_92 : i32
    %broadcast_in_dim3A_94 = vector.broadcast %add3A_91 : i32 to vector<3136x128xi32>
    %broadcast_in_dim3A_95 = vector.broadcast %add3A_93 : i32 to vector<3136x128xi32>
    %select_n3A_96 = arith.select %lt3A_88, %broadcast_in_dim3A_94, %broadcast_in_dim3A_95 : vector<3136x128xi1>, vector<3136x128xi32>
    %lt3A_97 = arith.cmpf olt, %add3A_61, %add3A_52 : vector<3136x128xf32>
    %select_n3A_98 = arith.select %lt3A_97, %add3A_61, %add3A_52 : vector<3136x128xi1>, vector<3136x128xf32>
    %add3A_99 = arith.constant 5 : i32
    %add3A_100 = arith.addi %mul3A_81, %add3A_99 : i32
    %add3A_101 = arith.constant 4 : i32
    %add3A_102 = arith.addi %mul3A_81, %add3A_101 : i32
    %broadcast_in_dim3A_103 = vector.broadcast %add3A_100 : i32 to vector<3136x128xi32>
    %broadcast_in_dim3A_104 = vector.broadcast %add3A_102 : i32 to vector<3136x128xi32>
    %select_n3A_105 = arith.select %lt3A_97, %broadcast_in_dim3A_103, %broadcast_in_dim3A_104 : vector<3136x128xi1>, vector<3136x128xi32>
    %lt3A_106 = arith.cmpf olt, %add3A_79, %add3A_70 : vector<3136x128xf32>
    %select_n3A_107 = arith.select %lt3A_106, %add3A_79, %add3A_70 : vector<3136x128xi1>, vector<3136x128xf32>
    %add3A_108 = arith.constant 7 : i32
    %add3A_109 = arith.addi %mul3A_81, %add3A_108 : i32
    %add3A_110 = arith.constant 6 : i32
    %add3A_111 = arith.addi %mul3A_81, %add3A_110 : i32
    %broadcast_in_dim3A_112 = vector.broadcast %add3A_109 : i32 to vector<3136x128xi32>
    %broadcast_in_dim3A_113 = vector.broadcast %add3A_111 : i32 to vector<3136x128xi32>
    %select_n3A_114 = arith.select %lt3A_106, %broadcast_in_dim3A_112, %broadcast_in_dim3A_113 : vector<3136x128xi1>, vector<3136x128xi32>
    %lt3A_115 = arith.cmpf olt, %select_n3A_89, %select_n3A : vector<3136x128xf32>
    %select_n3A_116 = arith.select %lt3A_115, %select_n3A_89, %select_n3A : vector<3136x128xi1>, vector<3136x128xf32>
    %select_n3A_117 = arith.select %lt3A_115, %select_n3A_96, %select_n3A_87 : vector<3136x128xi1>, vector<3136x128xi32>
    %lt3A_118 = arith.cmpf olt, %select_n3A_107, %select_n3A_98 : vector<3136x128xf32>
    %select_n3A_119 = arith.select %lt3A_118, %select_n3A_107, %select_n3A_98 : vector<3136x128xi1>, vector<3136x128xf32>
    %select_n3A_120 = arith.select %lt3A_118, %select_n3A_114, %select_n3A_105 : vector<3136x128xi1>, vector<3136x128xi32>
    %lt3A_121 = arith.cmpf olt, %select_n3A_119, %select_n3A_116 : vector<3136x128xf32>
    %select_n3A_122 = arith.select %lt3A_121, %select_n3A_119, %select_n3A_116 : vector<3136x128xi1>, vector<3136x128xf32>
    %select_n3A_123 = arith.select %lt3A_121, %select_n3A_120, %select_n3A_117 : vector<3136x128xi1>, vector<3136x128xi32>
    %eq3A = arith.constant 0 : i32
    %eq3A_124 = arith.cmpi eq, %arg0, %eq3A : i32
    %convert_element_type3A = arith.extui %eq3A_124 : i1 to i32
    %cond3A = arith.constant 0 : i32
    %cond3A_125 = arith.cmpi ne, %convert_element_type3A, %cond3A : i32
    scf.if %cond3A_125 {
      %swap3A = arith.constant 0 : index
      %swap3A_135 = arith.constant 0 : index
      %swap3A_136 = vector.load %arg6[%swap3A, %swap3A_135] : memref<3136x128xf32, #tpu.memory_space<vmem>>, vector<3136x128xf32>
      tpu.vector_store %arg6[%swap3A, %swap3A_135], %select_n3A_122 {strides = array<i32>} : memref<3136x128xf32, #tpu.memory_space<vmem>>, vector<3136x128xf32>,
      %swap3A_137 = arith.constant 0 : index
      %swap3A_138 = arith.constant 0 : index
      %swap3A_139 = vector.load %arg7[%swap3A_137, %swap3A_138] : memref<3136x128xi32, #tpu.memory_space<vmem>>, vector<3136x128xi32>
      tpu.vector_store %arg7[%swap3A_137, %swap3A_138], %select_n3A_123 {strides = array<i32>} : memref<3136x128xi32, #tpu.memory_space<vmem>>, vector<3136x128xi32>,
    } else {
    }
    %gt3A = arith.constant 0 : i32
    %gt3A_126 = arith.cmpi sgt, %arg0, %gt3A : i32
    %convert_element_type3A_127 = arith.extui %gt3A_126 : i1 to i32
    %cond3A_128 = arith.constant 0 : i32
    %cond3A_129 = arith.cmpi ne, %convert_element_type3A_127, %cond3A_128 : i32
    scf.if %cond3A_129 {
      %get3A_135 = arith.constant 0 : index
      %get3A_136 = arith.constant 0 : index
      %get3A_137 = vector.load %arg6[%get3A_135, %get3A_136] : memref<3136x128xf32, #tpu.memory_space<vmem>>, vector<3136x128xf32>
      %lt3A_138 = arith.cmpf olt, %select_n3A_122, %get3A_137 : vector<3136x128xf32>
      %get3A_139 = arith.constant 0 : index
      %get3A_140 = arith.constant 0 : index
      %get3A_141 = vector.load %arg7[%get3A_139, %get3A_140] : memref<3136x128xi32, #tpu.memory_space<vmem>>, vector<3136x128xi32>
      %select_n3A_142 = arith.select %lt3A_138, %select_n3A_123, %get3A_141 : vector<3136x128xi1>, vector<3136x128xi32>
      %swap3A = arith.constant 0 : index
      %swap3A_143 = arith.constant 0 : index
      %swap3A_144 = vector.load %arg7[%swap3A, %swap3A_143] : memref<3136x128xi32, #tpu.memory_space<vmem>>, vector<3136x128xi32>
      tpu.vector_store %arg7[%swap3A, %swap3A_143], %select_n3A_142 {strides = array<i32>} : memref<3136x128xi32, #tpu.memory_space<vmem>>, vector<3136x128xi32>,
      %get3A_145 = arith.constant 0 : index
      %get3A_146 = arith.constant 0 : index
      %get3A_147 = vector.load %arg6[%get3A_145, %get3A_146] : memref<3136x128xf32, #tpu.memory_space<vmem>>, vector<3136x128xf32>
      %select_n3A_148 = arith.select %lt3A_138, %select_n3A_122, %get3A_147 : vector<3136x128xi1>, vector<3136x128xf32>
      %swap3A_149 = arith.constant 0 : index
      %swap3A_150 = arith.constant 0 : index
      %swap3A_151 = vector.load %arg6[%swap3A_149, %swap3A_150] : memref<3136x128xf32, #tpu.memory_space<vmem>>, vector<3136x128xf32>
      tpu.vector_store %arg6[%swap3A_149, %swap3A_150], %select_n3A_148 {strides = array<i32>} : memref<3136x128xf32, #tpu.memory_space<vmem>>, vector<3136x128xf32>,
    } else {
    }
    %eq3A_130 = arith.constant 7 : i32
    %eq3A_131 = arith.cmpi eq, %arg0, %eq3A_130 : i32
    %convert_element_type3A_132 = arith.extui %eq3A_131 : i1 to i32
    %cond3A_133 = arith.constant 0 : i32
    %cond3A_134 = arith.cmpi ne, %convert_element_type3A_132, %cond3A_133 : i32
    scf.if %cond3A_134 {
      %get3A_135 = arith.constant 0 : index
      %get3A_136 = arith.constant 0 : index
      %get3A_137 = vector.load %arg6[%get3A_135, %get3A_136] : memref<3136x128xf32, #tpu.memory_space<vmem>>, vector<3136x128xf32>
      %reduce_min3A = arith.constant dense<0x7F800000> : vector<3136xf32>
      %reduce_min3A_138 = vector.multi_reduction <minimumf>, %get3A_137, %reduce_min3A [1] : vector<3136x128xf32> to vector<3136xf32>
      %broadcast_in_dim3A_139 = vector.shape_cast %reduce_min3A_138 : vector<3136xf32> to vector<3136x1xf32>
      %iota3A = tpu.iota {dimensions = array<i32: 1>} : vector<3136x128xi32>
      %get3A_140 = arith.constant 0 : index
      %get3A_141 = arith.constant 0 : index
      %get3A_142 = vector.load %arg7[%get3A_140, %get3A_141] : memref<3136x128xi32, #tpu.memory_space<vmem>>, vector<3136x128xi32>
      %mul3A_143 = arith.constant 128 : i32
      %mul3A_144 = vector.broadcast %mul3A_143 : i32 to vector<3136x128xi32>
      %mul3A_145 = arith.muli %get3A_142, %mul3A_144 : vector<3136x128xi32>
      %add3A_146 = arith.addi %mul3A_145, %iota3A : vector<3136x128xi32>
      %eq3A_147 = vector.broadcast %broadcast_in_dim3A_139 : vector<3136x1xf32> to vector<3136x128xf32>
      %eq3A_148 = arith.cmpf oeq, %get3A_137, %eq3A_147 : vector<3136x128xf32>
      %jit3A = arith.constant 8192 : i32
      %broadcast_in_dim3A_149 = vector.broadcast %jit3A : i32 to vector<3136x128xi32>
      %select_n3A_150 = arith.select %eq3A_148, %add3A_146, %broadcast_in_dim3A_149 : vector<3136x128xi1>, vector<3136x128xi32>
      %reduce_min3A_151 = arith.constant dense<2147483647> : vector<3136xi32>
      %reduce_min3A_152 = vector.multi_reduction <minsi>, %select_n3A_150, %reduce_min3A_151 [1] : vector<3136x128xi32> to vector<3136xi32>
      %broadcast_in_dim3A_153 = vector.shape_cast %reduce_min3A_152 : vector<3136xi32> to vector<3136x1xi32>
      %swap3A = arith.constant 0 : index
      %swap3A_154 = arith.constant 0 : index
      %swap3A_155 = vector.load %arg5[%swap3A, %swap3A_154] : memref<3136x1xi32, #tpu.memory_space<vmem>>, vector<3136x1xi32>
      tpu.vector_store %arg5[%swap3A, %swap3A_154], %broadcast_in_dim3A_153 {strides = array<i32>} : memref<3136x1xi32, #tpu.memory_space<vmem>>, vector<3136x1xi32>,
    } else {
    }
    return
  }
  func.func @transform_0(%arg0: i32) -> (i32, i32) {
    %c0_i32 = arith.constant 0 : i32
    %c0_i32_0 = arith.constant 0 : i32
    %c0_i32_1 = arith.constant 0 : i32
    return %c0_i32, %c0_i32_0 : i32, i32
  }
  func.func @transform_1(%arg0: i32) -> (i32, i32) {
    %c0_i32 = arith.constant 0 : i32
    %c0_i32_0 = arith.constant 0 : i32
    %c0_i32_1 = arith.constant 0 : i32
    return %c0_i32, %c0_i32_0 : i32, i32
  }
  func.func @transform_2(%arg0: i32) -> (i32, i32) {
    %c0_i32 = arith.constant 0 : i32
    %c0_i32_0 = arith.constant 0 : i32
    return %arg0, %c0_i32 : i32, i32
  }
  func.func @transform_3(%arg0: i32) -> (i32, i32) {
    %c0_i32 = arith.constant 0 : i32
    %c0_i32_0 = arith.constant 0 : i32
    return %c0_i32, %arg0 : i32, i32
  }
  func.func @transform_4(%arg0: i32) -> (i32, i32) {
    %c0_i32 = arith.constant 0 : i32
    %c0_i32_0 = arith.constant 0 : i32
    %c0_i32_1 = arith.constant 0 : i32
    return %c0_i32, %c0_i32_0 : i32, i32
  }
}

module attributes {stable_mosaic.version = 14 : i64} {
  func.func @_dec_body(%arg0: memref<58x58x128xf32, #tpu.memory_space<vmem>>, %arg1: memref<9x128x128xf32, #tpu.memory_space<vmem>>, %arg2: memref<1x128xf32, #tpu.memory_space<vmem>>, %arg3: memref<16x128x64xf32, #tpu.memory_space<vmem>>, %arg4: memref<1x64xf32, #tpu.memory_space<vmem>>, %arg5: memref<4x3136x64xf32, #tpu.memory_space<vmem>>, %arg6: memref<58x58x128xf32, #tpu.memory_space<vmem>>) attributes {dimension_semantics = [], scalar_prefetch = 0 : i64, scratch_operands = 1 : i64, tpu.core_type = #tpu.core_type<tc>} {
    %broadcast_in_dim3A = arith.constant 0.000000e+00 : f32
    %broadcast_in_dim3A_0 = vector.broadcast %broadcast_in_dim3A : f32 to vector<3136x128xf32>
    %get3A = arith.constant 0 : index
    %get3A_1 = arith.constant 0 : index
    %get3A_2 = arith.constant 0 : index
    %get3A_3 = vector.load %arg0[%get3A, %get3A_1, %get3A_2] : memref<58x58x128xf32, #tpu.memory_space<vmem>>, vector<56x56x128xf32>
    %reshape3A = vector.shape_cast %get3A_3 : vector<56x56x128xf32> to vector<3136x128xf32>
    %get3A_4 = arith.constant 0 : index
    %get3A_5 = arith.constant 0 : index
    %get3A_6 = arith.constant 0 : index
    %get3A_7 = vector.load %arg1[%get3A_4, %get3A_5, %get3A_6] : memref<9x128x128xf32, #tpu.memory_space<vmem>>, vector<1x128x128xf32>
    %get3A_8 = vector.shape_cast %get3A_7 : vector<1x128x128xf32> to vector<128x128xf32>
    %dot_general3A = arith.constant dense<0.000000e+00> : vector<3136x128xf32>
    %dot_general3A_9 = tpu.matmul %reshape3A, %get3A_8, %dot_general3A {dimension_numbers = #tpu.dot_dimension_numbers<[1], [0], [0], [1], [0, 0, 1, 1], [], []>, transpose_lhs_hint = false} : vector<3136x128xf32>, vector<128x128xf32>, vector<3136x128xf32> -> vector<3136x128xf32>
    %add3A = arith.addf %broadcast_in_dim3A_0, %dot_general3A_9 : vector<3136x128xf32>
    %get3A_10 = arith.constant 0 : index
    %get3A_11 = arith.constant 1 : index
    %get3A_12 = arith.constant 0 : index
    %get3A_13 = vector.load %arg0[%get3A_10, %get3A_11, %get3A_12] : memref<58x58x128xf32, #tpu.memory_space<vmem>>, vector<56x56x128xf32>
    %reshape3A_14 = vector.shape_cast %get3A_13 : vector<56x56x128xf32> to vector<3136x128xf32>
    %get3A_15 = arith.constant 1 : index
    %get3A_16 = arith.constant 0 : index
    %get3A_17 = arith.constant 0 : index
    %get3A_18 = vector.load %arg1[%get3A_15, %get3A_16, %get3A_17] : memref<9x128x128xf32, #tpu.memory_space<vmem>>, vector<1x128x128xf32>
    %get3A_19 = vector.shape_cast %get3A_18 : vector<1x128x128xf32> to vector<128x128xf32>
    %dot_general3A_20 = arith.constant dense<0.000000e+00> : vector<3136x128xf32>
    %dot_general3A_21 = tpu.matmul %reshape3A_14, %get3A_19, %dot_general3A_20 {dimension_numbers = #tpu.dot_dimension_numbers<[1], [0], [0], [1], [0, 0, 1, 1], [], []>, transpose_lhs_hint = false} : vector<3136x128xf32>, vector<128x128xf32>, vector<3136x128xf32> -> vector<3136x128xf32>
    %add3A_22 = arith.addf %add3A, %dot_general3A_21 : vector<3136x128xf32>
    %get3A_23 = arith.constant 0 : index
    %get3A_24 = arith.constant 2 : index
    %get3A_25 = arith.constant 0 : index
    %get3A_26 = vector.load %arg0[%get3A_23, %get3A_24, %get3A_25] : memref<58x58x128xf32, #tpu.memory_space<vmem>>, vector<56x56x128xf32>
    %reshape3A_27 = vector.shape_cast %get3A_26 : vector<56x56x128xf32> to vector<3136x128xf32>
    %get3A_28 = arith.constant 2 : index
    %get3A_29 = arith.constant 0 : index
    %get3A_30 = arith.constant 0 : index
    %get3A_31 = vector.load %arg1[%get3A_28, %get3A_29, %get3A_30] : memref<9x128x128xf32, #tpu.memory_space<vmem>>, vector<1x128x128xf32>
    %get3A_32 = vector.shape_cast %get3A_31 : vector<1x128x128xf32> to vector<128x128xf32>
    %dot_general3A_33 = arith.constant dense<0.000000e+00> : vector<3136x128xf32>
    %dot_general3A_34 = tpu.matmul %reshape3A_27, %get3A_32, %dot_general3A_33 {dimension_numbers = #tpu.dot_dimension_numbers<[1], [0], [0], [1], [0, 0, 1, 1], [], []>, transpose_lhs_hint = false} : vector<3136x128xf32>, vector<128x128xf32>, vector<3136x128xf32> -> vector<3136x128xf32>
    %add3A_35 = arith.addf %add3A_22, %dot_general3A_34 : vector<3136x128xf32>
    %get3A_36 = arith.constant 1 : index
    %get3A_37 = arith.constant 0 : index
    %get3A_38 = arith.constant 0 : index
    %get3A_39 = vector.load %arg0[%get3A_36, %get3A_37, %get3A_38] : memref<58x58x128xf32, #tpu.memory_space<vmem>>, vector<56x56x128xf32>
    %reshape3A_40 = vector.shape_cast %get3A_39 : vector<56x56x128xf32> to vector<3136x128xf32>
    %get3A_41 = arith.constant 3 : index
    %get3A_42 = arith.constant 0 : index
    %get3A_43 = arith.constant 0 : index
    %get3A_44 = vector.load %arg1[%get3A_41, %get3A_42, %get3A_43] : memref<9x128x128xf32, #tpu.memory_space<vmem>>, vector<1x128x128xf32>
    %get3A_45 = vector.shape_cast %get3A_44 : vector<1x128x128xf32> to vector<128x128xf32>
    %dot_general3A_46 = arith.constant dense<0.000000e+00> : vector<3136x128xf32>
    %dot_general3A_47 = tpu.matmul %reshape3A_40, %get3A_45, %dot_general3A_46 {dimension_numbers = #tpu.dot_dimension_numbers<[1], [0], [0], [1], [0, 0, 1, 1], [], []>, transpose_lhs_hint = false} : vector<3136x128xf32>, vector<128x128xf32>, vector<3136x128xf32> -> vector<3136x128xf32>
    %add3A_48 = arith.addf %add3A_35, %dot_general3A_47 : vector<3136x128xf32>
    %get3A_49 = arith.constant 1 : index
    %get3A_50 = arith.constant 1 : index
    %get3A_51 = arith.constant 0 : index
    %get3A_52 = vector.load %arg0[%get3A_49, %get3A_50, %get3A_51] : memref<58x58x128xf32, #tpu.memory_space<vmem>>, vector<56x56x128xf32>
    %reshape3A_53 = vector.shape_cast %get3A_52 : vector<56x56x128xf32> to vector<3136x128xf32>
    %get3A_54 = arith.constant 4 : index
    %get3A_55 = arith.constant 0 : index
    %get3A_56 = arith.constant 0 : index
    %get3A_57 = vector.load %arg1[%get3A_54, %get3A_55, %get3A_56] : memref<9x128x128xf32, #tpu.memory_space<vmem>>, vector<1x128x128xf32>
    %get3A_58 = vector.shape_cast %get3A_57 : vector<1x128x128xf32> to vector<128x128xf32>
    %dot_general3A_59 = arith.constant dense<0.000000e+00> : vector<3136x128xf32>
    %dot_general3A_60 = tpu.matmul %reshape3A_53, %get3A_58, %dot_general3A_59 {dimension_numbers = #tpu.dot_dimension_numbers<[1], [0], [0], [1], [0, 0, 1, 1], [], []>, transpose_lhs_hint = false} : vector<3136x128xf32>, vector<128x128xf32>, vector<3136x128xf32> -> vector<3136x128xf32>
    %add3A_61 = arith.addf %add3A_48, %dot_general3A_60 : vector<3136x128xf32>
    %get3A_62 = arith.constant 1 : index
    %get3A_63 = arith.constant 2 : index
    %get3A_64 = arith.constant 0 : index
    %get3A_65 = vector.load %arg0[%get3A_62, %get3A_63, %get3A_64] : memref<58x58x128xf32, #tpu.memory_space<vmem>>, vector<56x56x128xf32>
    %reshape3A_66 = vector.shape_cast %get3A_65 : vector<56x56x128xf32> to vector<3136x128xf32>
    %get3A_67 = arith.constant 5 : index
    %get3A_68 = arith.constant 0 : index
    %get3A_69 = arith.constant 0 : index
    %get3A_70 = vector.load %arg1[%get3A_67, %get3A_68, %get3A_69] : memref<9x128x128xf32, #tpu.memory_space<vmem>>, vector<1x128x128xf32>
    %get3A_71 = vector.shape_cast %get3A_70 : vector<1x128x128xf32> to vector<128x128xf32>
    %dot_general3A_72 = arith.constant dense<0.000000e+00> : vector<3136x128xf32>
    %dot_general3A_73 = tpu.matmul %reshape3A_66, %get3A_71, %dot_general3A_72 {dimension_numbers = #tpu.dot_dimension_numbers<[1], [0], [0], [1], [0, 0, 1, 1], [], []>, transpose_lhs_hint = false} : vector<3136x128xf32>, vector<128x128xf32>, vector<3136x128xf32> -> vector<3136x128xf32>
    %add3A_74 = arith.addf %add3A_61, %dot_general3A_73 : vector<3136x128xf32>
    %get3A_75 = arith.constant 2 : index
    %get3A_76 = arith.constant 0 : index
    %get3A_77 = arith.constant 0 : index
    %get3A_78 = vector.load %arg0[%get3A_75, %get3A_76, %get3A_77] : memref<58x58x128xf32, #tpu.memory_space<vmem>>, vector<56x56x128xf32>
    %reshape3A_79 = vector.shape_cast %get3A_78 : vector<56x56x128xf32> to vector<3136x128xf32>
    %get3A_80 = arith.constant 6 : index
    %get3A_81 = arith.constant 0 : index
    %get3A_82 = arith.constant 0 : index
    %get3A_83 = vector.load %arg1[%get3A_80, %get3A_81, %get3A_82] : memref<9x128x128xf32, #tpu.memory_space<vmem>>, vector<1x128x128xf32>
    %get3A_84 = vector.shape_cast %get3A_83 : vector<1x128x128xf32> to vector<128x128xf32>
    %dot_general3A_85 = arith.constant dense<0.000000e+00> : vector<3136x128xf32>
    %dot_general3A_86 = tpu.matmul %reshape3A_79, %get3A_84, %dot_general3A_85 {dimension_numbers = #tpu.dot_dimension_numbers<[1], [0], [0], [1], [0, 0, 1, 1], [], []>, transpose_lhs_hint = false} : vector<3136x128xf32>, vector<128x128xf32>, vector<3136x128xf32> -> vector<3136x128xf32>
    %add3A_87 = arith.addf %add3A_74, %dot_general3A_86 : vector<3136x128xf32>
    %get3A_88 = arith.constant 2 : index
    %get3A_89 = arith.constant 1 : index
    %get3A_90 = arith.constant 0 : index
    %get3A_91 = vector.load %arg0[%get3A_88, %get3A_89, %get3A_90] : memref<58x58x128xf32, #tpu.memory_space<vmem>>, vector<56x56x128xf32>
    %reshape3A_92 = vector.shape_cast %get3A_91 : vector<56x56x128xf32> to vector<3136x128xf32>
    %get3A_93 = arith.constant 7 : index
    %get3A_94 = arith.constant 0 : index
    %get3A_95 = arith.constant 0 : index
    %get3A_96 = vector.load %arg1[%get3A_93, %get3A_94, %get3A_95] : memref<9x128x128xf32, #tpu.memory_space<vmem>>, vector<1x128x128xf32>
    %get3A_97 = vector.shape_cast %get3A_96 : vector<1x128x128xf32> to vector<128x128xf32>
    %dot_general3A_98 = arith.constant dense<0.000000e+00> : vector<3136x128xf32>
    %dot_general3A_99 = tpu.matmul %reshape3A_92, %get3A_97, %dot_general3A_98 {dimension_numbers = #tpu.dot_dimension_numbers<[1], [0], [0], [1], [0, 0, 1, 1], [], []>, transpose_lhs_hint = false} : vector<3136x128xf32>, vector<128x128xf32>, vector<3136x128xf32> -> vector<3136x128xf32>
    %add3A_100 = arith.addf %add3A_87, %dot_general3A_99 : vector<3136x128xf32>
    %get3A_101 = arith.constant 2 : index
    %get3A_102 = arith.constant 2 : index
    %get3A_103 = arith.constant 0 : index
    %get3A_104 = vector.load %arg0[%get3A_101, %get3A_102, %get3A_103] : memref<58x58x128xf32, #tpu.memory_space<vmem>>, vector<56x56x128xf32>
    %reshape3A_105 = vector.shape_cast %get3A_104 : vector<56x56x128xf32> to vector<3136x128xf32>
    %get3A_106 = arith.constant 8 : index
    %get3A_107 = arith.constant 0 : index
    %get3A_108 = arith.constant 0 : index
    %get3A_109 = vector.load %arg1[%get3A_106, %get3A_107, %get3A_108] : memref<9x128x128xf32, #tpu.memory_space<vmem>>, vector<1x128x128xf32>
    %get3A_110 = vector.shape_cast %get3A_109 : vector<1x128x128xf32> to vector<128x128xf32>
    %dot_general3A_111 = arith.constant dense<0.000000e+00> : vector<3136x128xf32>
    %dot_general3A_112 = tpu.matmul %reshape3A_105, %get3A_110, %dot_general3A_111 {dimension_numbers = #tpu.dot_dimension_numbers<[1], [0], [0], [1], [0, 0, 1, 1], [], []>, transpose_lhs_hint = false} : vector<3136x128xf32>, vector<128x128xf32>, vector<3136x128xf32> -> vector<3136x128xf32>
    %add3A_113 = arith.addf %add3A_100, %dot_general3A_112 : vector<3136x128xf32>
    %get3A_114 = arith.constant 0 : index
    %get3A_115 = arith.constant 0 : index
    %get3A_116 = vector.load %arg2[%get3A_114, %get3A_115] : memref<1x128xf32, #tpu.memory_space<vmem>>, vector<1x128xf32>
    %add3A_117 = vector.broadcast %get3A_116 : vector<1x128xf32> to vector<3136x128xf32>
    %add3A_118 = arith.addf %add3A_113, %add3A_117 : vector<3136x128xf32>
    %max3A = arith.constant 0.000000e+00 : f32
    %max3A_119 = vector.broadcast %max3A : f32 to vector<3136x128xf32>
    %max3A_120 = arith.maximumf %add3A_118, %max3A_119 : vector<3136x128xf32>
    %broadcast_in_dim3A_121 = arith.constant 0.000000e+00 : f32
    %broadcast_in_dim3A_122 = vector.broadcast %broadcast_in_dim3A_121 : f32 to vector<58x58x128xf32>
    %swap3A = arith.constant 0 : index
    %swap3A_123 = arith.constant 0 : index
    %swap3A_124 = arith.constant 0 : index
    %swap3A_125 = vector.load %arg6[%swap3A, %swap3A_123, %swap3A_124] : memref<58x58x128xf32, #tpu.memory_space<vmem>>, vector<58x58x128xf32>
    tpu.vector_store %arg6[%swap3A, %swap3A_123, %swap3A_124], %broadcast_in_dim3A_122 {strides = array<i32>} : memref<58x58x128xf32, #tpu.memory_space<vmem>>, vector<58x58x128xf32>,
    %reshape3A_126 = vector.shape_cast %max3A_120 : vector<3136x128xf32> to vector<56x56x128xf32>
    %swap3A_127 = arith.constant 1 : index
    %swap3A_128 = arith.constant 1 : index
    %swap3A_129 = arith.constant 0 : index
    %swap3A_130 = vector.load %arg6[%swap3A_127, %swap3A_128, %swap3A_129] : memref<58x58x128xf32, #tpu.memory_space<vmem>>, vector<56x56x128xf32>
    tpu.vector_store %arg6[%swap3A_127, %swap3A_128, %swap3A_129], %reshape3A_126 {strides = array<i32>} : memref<58x58x128xf32, #tpu.memory_space<vmem>>, vector<56x56x128xf32>,
    %broadcast_in_dim3A_131 = arith.constant 0.000000e+00 : f32
    %broadcast_in_dim3A_132 = vector.broadcast %broadcast_in_dim3A_131 : f32 to vector<3136x64xf32>
    %get3A_133 = arith.constant 1 : index
    %get3A_134 = arith.constant 1 : index
    %get3A_135 = arith.constant 0 : index
    %get3A_136 = vector.load %arg6[%get3A_133, %get3A_134, %get3A_135] : memref<58x58x128xf32, #tpu.memory_space<vmem>>, vector<56x56x128xf32>
    %reshape3A_137 = vector.shape_cast %get3A_136 : vector<56x56x128xf32> to vector<3136x128xf32>
    %get3A_138 = arith.constant 5 : index
    %get3A_139 = arith.constant 0 : index
    %get3A_140 = arith.constant 0 : index
    %get3A_141 = vector.load %arg3[%get3A_138, %get3A_139, %get3A_140] : memref<16x128x64xf32, #tpu.memory_space<vmem>>, vector<1x128x64xf32>
    %get3A_142 = vector.shape_cast %get3A_141 : vector<1x128x64xf32> to vector<128x64xf32>
    %dot_general3A_143 = arith.constant dense<0.000000e+00> : vector<3136x64xf32>
    %dot_general3A_144 = tpu.matmul %reshape3A_137, %get3A_142, %dot_general3A_143 {dimension_numbers = #tpu.dot_dimension_numbers<[1], [0], [0], [1], [0, 0, 1, 1], [], []>, transpose_lhs_hint = false} : vector<3136x128xf32>, vector<128x64xf32>, vector<3136x64xf32> -> vector<3136x64xf32>
    %add3A_145 = arith.addf %broadcast_in_dim3A_132, %dot_general3A_144 : vector<3136x64xf32>
    %get3A_146 = arith.constant 1 : index
    %get3A_147 = arith.constant 0 : index
    %get3A_148 = arith.constant 0 : index
    %get3A_149 = vector.load %arg6[%get3A_146, %get3A_147, %get3A_148] : memref<58x58x128xf32, #tpu.memory_space<vmem>>, vector<56x56x128xf32>
    %reshape3A_150 = vector.shape_cast %get3A_149 : vector<56x56x128xf32> to vector<3136x128xf32>
    %get3A_151 = arith.constant 7 : index
    %get3A_152 = arith.constant 0 : index
    %get3A_153 = arith.constant 0 : index
    %get3A_154 = vector.load %arg3[%get3A_151, %get3A_152, %get3A_153] : memref<16x128x64xf32, #tpu.memory_space<vmem>>, vector<1x128x64xf32>
    %get3A_155 = vector.shape_cast %get3A_154 : vector<1x128x64xf32> to vector<128x64xf32>
    %dot_general3A_156 = arith.constant dense<0.000000e+00> : vector<3136x64xf32>
    %dot_general3A_157 = tpu.matmul %reshape3A_150, %get3A_155, %dot_general3A_156 {dimension_numbers = #tpu.dot_dimension_numbers<[1], [0], [0], [1], [0, 0, 1, 1], [], []>, transpose_lhs_hint = false} : vector<3136x128xf32>, vector<128x64xf32>, vector<3136x64xf32> -> vector<3136x64xf32>
    %add3A_158 = arith.addf %add3A_145, %dot_general3A_157 : vector<3136x64xf32>
    %get3A_159 = arith.constant 0 : index
    %get3A_160 = arith.constant 1 : index
    %get3A_161 = arith.constant 0 : index
    %get3A_162 = vector.load %arg6[%get3A_159, %get3A_160, %get3A_161] : memref<58x58x128xf32, #tpu.memory_space<vmem>>, vector<56x56x128xf32>
    %reshape3A_163 = vector.shape_cast %get3A_162 : vector<56x56x128xf32> to vector<3136x128xf32>
    %get3A_164 = arith.constant 13 : index
    %get3A_165 = arith.constant 0 : index
    %get3A_166 = arith.constant 0 : index
    %get3A_167 = vector.load %arg3[%get3A_164, %get3A_165, %get3A_166] : memref<16x128x64xf32, #tpu.memory_space<vmem>>, vector<1x128x64xf32>
    %get3A_168 = vector.shape_cast %get3A_167 : vector<1x128x64xf32> to vector<128x64xf32>
    %dot_general3A_169 = arith.constant dense<0.000000e+00> : vector<3136x64xf32>
    %dot_general3A_170 = tpu.matmul %reshape3A_163, %get3A_168, %dot_general3A_169 {dimension_numbers = #tpu.dot_dimension_numbers<[1], [0], [0], [1], [0, 0, 1, 1], [], []>, transpose_lhs_hint = false} : vector<3136x128xf32>, vector<128x64xf32>, vector<3136x64xf32> -> vector<3136x64xf32>
    %add3A_171 = arith.addf %add3A_158, %dot_general3A_170 : vector<3136x64xf32>
    %get3A_172 = arith.constant 0 : index
    %get3A_173 = arith.constant 0 : index
    %get3A_174 = arith.constant 0 : index
    %get3A_175 = vector.load %arg6[%get3A_172, %get3A_173, %get3A_174] : memref<58x58x128xf32, #tpu.memory_space<vmem>>, vector<56x56x128xf32>
    %reshape3A_176 = vector.shape_cast %get3A_175 : vector<56x56x128xf32> to vector<3136x128xf32>
    %get3A_177 = arith.constant 15 : index
    %get3A_178 = arith.constant 0 : index
    %get3A_179 = arith.constant 0 : index
    %get3A_180 = vector.load %arg3[%get3A_177, %get3A_178, %get3A_179] : memref<16x128x64xf32, #tpu.memory_space<vmem>>, vector<1x128x64xf32>
    %get3A_181 = vector.shape_cast %get3A_180 : vector<1x128x64xf32> to vector<128x64xf32>
    %dot_general3A_182 = arith.constant dense<0.000000e+00> : vector<3136x64xf32>
    %dot_general3A_183 = tpu.matmul %reshape3A_176, %get3A_181, %dot_general3A_182 {dimension_numbers = #tpu.dot_dimension_numbers<[1], [0], [0], [1], [0, 0, 1, 1], [], []>, transpose_lhs_hint = false} : vector<3136x128xf32>, vector<128x64xf32>, vector<3136x64xf32> -> vector<3136x64xf32>
    %add3A_184 = arith.addf %add3A_171, %dot_general3A_183 : vector<3136x64xf32>
    %get3A_185 = arith.constant 0 : index
    %get3A_186 = arith.constant 0 : index
    %get3A_187 = vector.load %arg4[%get3A_185, %get3A_186] : memref<1x64xf32, #tpu.memory_space<vmem>>, vector<1x64xf32>
    %add3A_188 = vector.broadcast %get3A_187 : vector<1x64xf32> to vector<3136x64xf32>
    %add3A_189 = arith.addf %add3A_184, %add3A_188 : vector<3136x64xf32>
    %max3A_190 = arith.constant 0.000000e+00 : f32
    %max3A_191 = vector.broadcast %max3A_190 : f32 to vector<3136x64xf32>
    %max3A_192 = arith.maximumf %add3A_189, %max3A_191 : vector<3136x64xf32>
    %swap3A_193 = arith.constant 0 : index
    %swap3A_194 = arith.constant 0 : index
    %swap3A_195 = arith.constant 0 : index
    %swap3A_196 = vector.load %arg5[%swap3A_193, %swap3A_194, %swap3A_195] : memref<4x3136x64xf32, #tpu.memory_space<vmem>>, vector<1x3136x64xf32>
    %swap3A_197 = vector.shape_cast %swap3A_196 : vector<1x3136x64xf32> to vector<3136x64xf32>
    %swap3A_198 = vector.shape_cast %max3A_192 : vector<3136x64xf32> to vector<1x3136x64xf32>
    tpu.vector_store %arg5[%swap3A_193, %swap3A_194, %swap3A_195], %swap3A_198 {strides = array<i32>} : memref<4x3136x64xf32, #tpu.memory_space<vmem>>, vector<1x3136x64xf32>,
    %broadcast_in_dim3A_199 = arith.constant 0.000000e+00 : f32
    %broadcast_in_dim3A_200 = vector.broadcast %broadcast_in_dim3A_199 : f32 to vector<3136x64xf32>
    %get3A_201 = arith.constant 1 : index
    %get3A_202 = arith.constant 2 : index
    %get3A_203 = arith.constant 0 : index
    %get3A_204 = vector.load %arg6[%get3A_201, %get3A_202, %get3A_203] : memref<58x58x128xf32, #tpu.memory_space<vmem>>, vector<56x56x128xf32>
    %reshape3A_205 = vector.shape_cast %get3A_204 : vector<56x56x128xf32> to vector<3136x128xf32>
    %get3A_206 = arith.constant 4 : index
    %get3A_207 = arith.constant 0 : index
    %get3A_208 = arith.constant 0 : index
    %get3A_209 = vector.load %arg3[%get3A_206, %get3A_207, %get3A_208] : memref<16x128x64xf32, #tpu.memory_space<vmem>>, vector<1x128x64xf32>
    %get3A_210 = vector.shape_cast %get3A_209 : vector<1x128x64xf32> to vector<128x64xf32>
    %dot_general3A_211 = arith.constant dense<0.000000e+00> : vector<3136x64xf32>
    %dot_general3A_212 = tpu.matmul %reshape3A_205, %get3A_210, %dot_general3A_211 {dimension_numbers = #tpu.dot_dimension_numbers<[1], [0], [0], [1], [0, 0, 1, 1], [], []>, transpose_lhs_hint = false} : vector<3136x128xf32>, vector<128x64xf32>, vector<3136x64xf32> -> vector<3136x64xf32>
    %add3A_213 = arith.addf %broadcast_in_dim3A_200, %dot_general3A_212 : vector<3136x64xf32>
    %get3A_214 = arith.constant 1 : index
    %get3A_215 = arith.constant 1 : index
    %get3A_216 = arith.constant 0 : index
    %get3A_217 = vector.load %arg6[%get3A_214, %get3A_215, %get3A_216] : memref<58x58x128xf32, #tpu.memory_space<vmem>>, vector<56x56x128xf32>
    %reshape3A_218 = vector.shape_cast %get3A_217 : vector<56x56x128xf32> to vector<3136x128xf32>
    %get3A_219 = arith.constant 6 : index
    %get3A_220 = arith.constant 0 : index
    %get3A_221 = arith.constant 0 : index
    %get3A_222 = vector.load %arg3[%get3A_219, %get3A_220, %get3A_221] : memref<16x128x64xf32, #tpu.memory_space<vmem>>, vector<1x128x64xf32>
    %get3A_223 = vector.shape_cast %get3A_222 : vector<1x128x64xf32> to vector<128x64xf32>
    %dot_general3A_224 = arith.constant dense<0.000000e+00> : vector<3136x64xf32>
    %dot_general3A_225 = tpu.matmul %reshape3A_218, %get3A_223, %dot_general3A_224 {dimension_numbers = #tpu.dot_dimension_numbers<[1], [0], [0], [1], [0, 0, 1, 1], [], []>, transpose_lhs_hint = false} : vector<3136x128xf32>, vector<128x64xf32>, vector<3136x64xf32> -> vector<3136x64xf32>
    %add3A_226 = arith.addf %add3A_213, %dot_general3A_225 : vector<3136x64xf32>
    %get3A_227 = arith.constant 0 : index
    %get3A_228 = arith.constant 2 : index
    %get3A_229 = arith.constant 0 : index
    %get3A_230 = vector.load %arg6[%get3A_227, %get3A_228, %get3A_229] : memref<58x58x128xf32, #tpu.memory_space<vmem>>, vector<56x56x128xf32>
    %reshape3A_231 = vector.shape_cast %get3A_230 : vector<56x56x128xf32> to vector<3136x128xf32>
    %get3A_232 = arith.constant 12 : index
    %get3A_233 = arith.constant 0 : index
    %get3A_234 = arith.constant 0 : index
    %get3A_235 = vector.load %arg3[%get3A_232, %get3A_233, %get3A_234] : memref<16x128x64xf32, #tpu.memory_space<vmem>>, vector<1x128x64xf32>
    %get3A_236 = vector.shape_cast %get3A_235 : vector<1x128x64xf32> to vector<128x64xf32>
    %dot_general3A_237 = arith.constant dense<0.000000e+00> : vector<3136x64xf32>
    %dot_general3A_238 = tpu.matmul %reshape3A_231, %get3A_236, %dot_general3A_237 {dimension_numbers = #tpu.dot_dimension_numbers<[1], [0], [0], [1], [0, 0, 1, 1], [], []>, transpose_lhs_hint = false} : vector<3136x128xf32>, vector<128x64xf32>, vector<3136x64xf32> -> vector<3136x64xf32>
    %add3A_239 = arith.addf %add3A_226, %dot_general3A_238 : vector<3136x64xf32>
    %get3A_240 = arith.constant 0 : index
    %get3A_241 = arith.constant 1 : index
    %get3A_242 = arith.constant 0 : index
    %get3A_243 = vector.load %arg6[%get3A_240, %get3A_241, %get3A_242] : memref<58x58x128xf32, #tpu.memory_space<vmem>>, vector<56x56x128xf32>
    %reshape3A_244 = vector.shape_cast %get3A_243 : vector<56x56x128xf32> to vector<3136x128xf32>
    %get3A_245 = arith.constant 14 : index
    %get3A_246 = arith.constant 0 : index
    %get3A_247 = arith.constant 0 : index
    %get3A_248 = vector.load %arg3[%get3A_245, %get3A_246, %get3A_247] : memref<16x128x64xf32, #tpu.memory_space<vmem>>, vector<1x128x64xf32>
    %get3A_249 = vector.shape_cast %get3A_248 : vector<1x128x64xf32> to vector<128x64xf32>
    %dot_general3A_250 = arith.constant dense<0.000000e+00> : vector<3136x64xf32>
    %dot_general3A_251 = tpu.matmul %reshape3A_244, %get3A_249, %dot_general3A_250 {dimension_numbers = #tpu.dot_dimension_numbers<[1], [0], [0], [1], [0, 0, 1, 1], [], []>, transpose_lhs_hint = false} : vector<3136x128xf32>, vector<128x64xf32>, vector<3136x64xf32> -> vector<3136x64xf32>
    %add3A_252 = arith.addf %add3A_239, %dot_general3A_251 : vector<3136x64xf32>
    %get3A_253 = arith.constant 0 : index
    %get3A_254 = arith.constant 0 : index
    %get3A_255 = vector.load %arg4[%get3A_253, %get3A_254] : memref<1x64xf32, #tpu.memory_space<vmem>>, vector<1x64xf32>
    %add3A_256 = vector.broadcast %get3A_255 : vector<1x64xf32> to vector<3136x64xf32>
    %add3A_257 = arith.addf %add3A_252, %add3A_256 : vector<3136x64xf32>
    %max3A_258 = arith.constant 0.000000e+00 : f32
    %max3A_259 = vector.broadcast %max3A_258 : f32 to vector<3136x64xf32>
    %max3A_260 = arith.maximumf %add3A_257, %max3A_259 : vector<3136x64xf32>
    %swap3A_261 = arith.constant 1 : index
    %swap3A_262 = arith.constant 0 : index
    %swap3A_263 = arith.constant 0 : index
    %swap3A_264 = vector.load %arg5[%swap3A_261, %swap3A_262, %swap3A_263] : memref<4x3136x64xf32, #tpu.memory_space<vmem>>, vector<1x3136x64xf32>
    %swap3A_265 = vector.shape_cast %swap3A_264 : vector<1x3136x64xf32> to vector<3136x64xf32>
    %swap3A_266 = vector.shape_cast %max3A_260 : vector<3136x64xf32> to vector<1x3136x64xf32>
    tpu.vector_store %arg5[%swap3A_261, %swap3A_262, %swap3A_263], %swap3A_266 {strides = array<i32>} : memref<4x3136x64xf32, #tpu.memory_space<vmem>>, vector<1x3136x64xf32>,
    %broadcast_in_dim3A_267 = arith.constant 0.000000e+00 : f32
    %broadcast_in_dim3A_268 = vector.broadcast %broadcast_in_dim3A_267 : f32 to vector<3136x64xf32>
    %get3A_269 = arith.constant 2 : index
    %get3A_270 = arith.constant 1 : index
    %get3A_271 = arith.constant 0 : index
    %get3A_272 = vector.load %arg6[%get3A_269, %get3A_270, %get3A_271] : memref<58x58x128xf32, #tpu.memory_space<vmem>>, vector<56x56x128xf32>
    %reshape3A_273 = vector.shape_cast %get3A_272 : vector<56x56x128xf32> to vector<3136x128xf32>
    %get3A_274 = arith.constant 1 : index
    %get3A_275 = arith.constant 0 : index
    %get3A_276 = arith.constant 0 : index
    %get3A_277 = vector.load %arg3[%get3A_274, %get3A_275, %get3A_276] : memref<16x128x64xf32, #tpu.memory_space<vmem>>, vector<1x128x64xf32>
    %get3A_278 = vector.shape_cast %get3A_277 : vector<1x128x64xf32> to vector<128x64xf32>
    %dot_general3A_279 = arith.constant dense<0.000000e+00> : vector<3136x64xf32>
    %dot_general3A_280 = tpu.matmul %reshape3A_273, %get3A_278, %dot_general3A_279 {dimension_numbers = #tpu.dot_dimension_numbers<[1], [0], [0], [1], [0, 0, 1, 1], [], []>, transpose_lhs_hint = false} : vector<3136x128xf32>, vector<128x64xf32>, vector<3136x64xf32> -> vector<3136x64xf32>
    %add3A_281 = arith.addf %broadcast_in_dim3A_268, %dot_general3A_280 : vector<3136x64xf32>
    %get3A_282 = arith.constant 2 : index
    %get3A_283 = arith.constant 0 : index
    %get3A_284 = arith.constant 0 : index
    %get3A_285 = vector.load %arg6[%get3A_282, %get3A_283, %get3A_284] : memref<58x58x128xf32, #tpu.memory_space<vmem>>, vector<56x56x128xf32>
    %reshape3A_286 = vector.shape_cast %get3A_285 : vector<56x56x128xf32> to vector<3136x128xf32>
    %get3A_287 = arith.constant 3 : index
    %get3A_288 = arith.constant 0 : index
    %get3A_289 = arith.constant 0 : index
    %get3A_290 = vector.load %arg3[%get3A_287, %get3A_288, %get3A_289] : memref<16x128x64xf32, #tpu.memory_space<vmem>>, vector<1x128x64xf32>
    %get3A_291 = vector.shape_cast %get3A_290 : vector<1x128x64xf32> to vector<128x64xf32>
    %dot_general3A_292 = arith.constant dense<0.000000e+00> : vector<3136x64xf32>
    %dot_general3A_293 = tpu.matmul %reshape3A_286, %get3A_291, %dot_general3A_292 {dimension_numbers = #tpu.dot_dimension_numbers<[1], [0], [0], [1], [0, 0, 1, 1], [], []>, transpose_lhs_hint = false} : vector<3136x128xf32>, vector<128x64xf32>, vector<3136x64xf32> -> vector<3136x64xf32>
    %add3A_294 = arith.addf %add3A_281, %dot_general3A_293 : vector<3136x64xf32>
    %get3A_295 = arith.constant 1 : index
    %get3A_296 = arith.constant 1 : index
    %get3A_297 = arith.constant 0 : index
    %get3A_298 = vector.load %arg6[%get3A_295, %get3A_296, %get3A_297] : memref<58x58x128xf32, #tpu.memory_space<vmem>>, vector<56x56x128xf32>
    %reshape3A_299 = vector.shape_cast %get3A_298 : vector<56x56x128xf32> to vector<3136x128xf32>
    %get3A_300 = arith.constant 9 : index
    %get3A_301 = arith.constant 0 : index
    %get3A_302 = arith.constant 0 : index
    %get3A_303 = vector.load %arg3[%get3A_300, %get3A_301, %get3A_302] : memref<16x128x64xf32, #tpu.memory_space<vmem>>, vector<1x128x64xf32>
    %get3A_304 = vector.shape_cast %get3A_303 : vector<1x128x64xf32> to vector<128x64xf32>
    %dot_general3A_305 = arith.constant dense<0.000000e+00> : vector<3136x64xf32>
    %dot_general3A_306 = tpu.matmul %reshape3A_299, %get3A_304, %dot_general3A_305 {dimension_numbers = #tpu.dot_dimension_numbers<[1], [0], [0], [1], [0, 0, 1, 1], [], []>, transpose_lhs_hint = false} : vector<3136x128xf32>, vector<128x64xf32>, vector<3136x64xf32> -> vector<3136x64xf32>
    %add3A_307 = arith.addf %add3A_294, %dot_general3A_306 : vector<3136x64xf32>
    %get3A_308 = arith.constant 1 : index
    %get3A_309 = arith.constant 0 : index
    %get3A_310 = arith.constant 0 : index
    %get3A_311 = vector.load %arg6[%get3A_308, %get3A_309, %get3A_310] : memref<58x58x128xf32, #tpu.memory_space<vmem>>, vector<56x56x128xf32>
    %reshape3A_312 = vector.shape_cast %get3A_311 : vector<56x56x128xf32> to vector<3136x128xf32>
    %get3A_313 = arith.constant 11 : index
    %get3A_314 = arith.constant 0 : index
    %get3A_315 = arith.constant 0 : index
    %get3A_316 = vector.load %arg3[%get3A_313, %get3A_314, %get3A_315] : memref<16x128x64xf32, #tpu.memory_space<vmem>>, vector<1x128x64xf32>
    %get3A_317 = vector.shape_cast %get3A_316 : vector<1x128x64xf32> to vector<128x64xf32>
    %dot_general3A_318 = arith.constant dense<0.000000e+00> : vector<3136x64xf32>
    %dot_general3A_319 = tpu.matmul %reshape3A_312, %get3A_317, %dot_general3A_318 {dimension_numbers = #tpu.dot_dimension_numbers<[1], [0], [0], [1], [0, 0, 1, 1], [], []>, transpose_lhs_hint = false} : vector<3136x128xf32>, vector<128x64xf32>, vector<3136x64xf32> -> vector<3136x64xf32>
    %add3A_320 = arith.addf %add3A_307, %dot_general3A_319 : vector<3136x64xf32>
    %get3A_321 = arith.constant 0 : index
    %get3A_322 = arith.constant 0 : index
    %get3A_323 = vector.load %arg4[%get3A_321, %get3A_322] : memref<1x64xf32, #tpu.memory_space<vmem>>, vector<1x64xf32>
    %add3A_324 = vector.broadcast %get3A_323 : vector<1x64xf32> to vector<3136x64xf32>
    %add3A_325 = arith.addf %add3A_320, %add3A_324 : vector<3136x64xf32>
    %max3A_326 = arith.constant 0.000000e+00 : f32
    %max3A_327 = vector.broadcast %max3A_326 : f32 to vector<3136x64xf32>
    %max3A_328 = arith.maximumf %add3A_325, %max3A_327 : vector<3136x64xf32>
    %swap3A_329 = arith.constant 2 : index
    %swap3A_330 = arith.constant 0 : index
    %swap3A_331 = arith.constant 0 : index
    %swap3A_332 = vector.load %arg5[%swap3A_329, %swap3A_330, %swap3A_331] : memref<4x3136x64xf32, #tpu.memory_space<vmem>>, vector<1x3136x64xf32>
    %swap3A_333 = vector.shape_cast %swap3A_332 : vector<1x3136x64xf32> to vector<3136x64xf32>
    %swap3A_334 = vector.shape_cast %max3A_328 : vector<3136x64xf32> to vector<1x3136x64xf32>
    tpu.vector_store %arg5[%swap3A_329, %swap3A_330, %swap3A_331], %swap3A_334 {strides = array<i32>} : memref<4x3136x64xf32, #tpu.memory_space<vmem>>, vector<1x3136x64xf32>,
    %broadcast_in_dim3A_335 = arith.constant 0.000000e+00 : f32
    %broadcast_in_dim3A_336 = vector.broadcast %broadcast_in_dim3A_335 : f32 to vector<3136x64xf32>
    %get3A_337 = arith.constant 2 : index
    %get3A_338 = arith.constant 2 : index
    %get3A_339 = arith.constant 0 : index
    %get3A_340 = vector.load %arg6[%get3A_337, %get3A_338, %get3A_339] : memref<58x58x128xf32, #tpu.memory_space<vmem>>, vector<56x56x128xf32>
    %reshape3A_341 = vector.shape_cast %get3A_340 : vector<56x56x128xf32> to vector<3136x128xf32>
    %get3A_342 = arith.constant 0 : index
    %get3A_343 = arith.constant 0 : index
    %get3A_344 = arith.constant 0 : index
    %get3A_345 = vector.load %arg3[%get3A_342, %get3A_343, %get3A_344] : memref<16x128x64xf32, #tpu.memory_space<vmem>>, vector<1x128x64xf32>
    %get3A_346 = vector.shape_cast %get3A_345 : vector<1x128x64xf32> to vector<128x64xf32>
    %dot_general3A_347 = arith.constant dense<0.000000e+00> : vector<3136x64xf32>
    %dot_general3A_348 = tpu.matmul %reshape3A_341, %get3A_346, %dot_general3A_347 {dimension_numbers = #tpu.dot_dimension_numbers<[1], [0], [0], [1], [0, 0, 1, 1], [], []>, transpose_lhs_hint = false} : vector<3136x128xf32>, vector<128x64xf32>, vector<3136x64xf32> -> vector<3136x64xf32>
    %add3A_349 = arith.addf %broadcast_in_dim3A_336, %dot_general3A_348 : vector<3136x64xf32>
    %get3A_350 = arith.constant 2 : index
    %get3A_351 = arith.constant 1 : index
    %get3A_352 = arith.constant 0 : index
    %get3A_353 = vector.load %arg6[%get3A_350, %get3A_351, %get3A_352] : memref<58x58x128xf32, #tpu.memory_space<vmem>>, vector<56x56x128xf32>
    %reshape3A_354 = vector.shape_cast %get3A_353 : vector<56x56x128xf32> to vector<3136x128xf32>
    %get3A_355 = arith.constant 2 : index
    %get3A_356 = arith.constant 0 : index
    %get3A_357 = arith.constant 0 : index
    %get3A_358 = vector.load %arg3[%get3A_355, %get3A_356, %get3A_357] : memref<16x128x64xf32, #tpu.memory_space<vmem>>, vector<1x128x64xf32>
    %get3A_359 = vector.shape_cast %get3A_358 : vector<1x128x64xf32> to vector<128x64xf32>
    %dot_general3A_360 = arith.constant dense<0.000000e+00> : vector<3136x64xf32>
    %dot_general3A_361 = tpu.matmul %reshape3A_354, %get3A_359, %dot_general3A_360 {dimension_numbers = #tpu.dot_dimension_numbers<[1], [0], [0], [1], [0, 0, 1, 1], [], []>, transpose_lhs_hint = false} : vector<3136x128xf32>, vector<128x64xf32>, vector<3136x64xf32> -> vector<3136x64xf32>
    %add3A_362 = arith.addf %add3A_349, %dot_general3A_361 : vector<3136x64xf32>
    %get3A_363 = arith.constant 1 : index
    %get3A_364 = arith.constant 2 : index
    %get3A_365 = arith.constant 0 : index
    %get3A_366 = vector.load %arg6[%get3A_363, %get3A_364, %get3A_365] : memref<58x58x128xf32, #tpu.memory_space<vmem>>, vector<56x56x128xf32>
    %reshape3A_367 = vector.shape_cast %get3A_366 : vector<56x56x128xf32> to vector<3136x128xf32>
    %get3A_368 = arith.constant 8 : index
    %get3A_369 = arith.constant 0 : index
    %get3A_370 = arith.constant 0 : index
    %get3A_371 = vector.load %arg3[%get3A_368, %get3A_369, %get3A_370] : memref<16x128x64xf32, #tpu.memory_space<vmem>>, vector<1x128x64xf32>
    %get3A_372 = vector.shape_cast %get3A_371 : vector<1x128x64xf32> to vector<128x64xf32>
    %dot_general3A_373 = arith.constant dense<0.000000e+00> : vector<3136x64xf32>
    %dot_general3A_374 = tpu.matmul %reshape3A_367, %get3A_372, %dot_general3A_373 {dimension_numbers = #tpu.dot_dimension_numbers<[1], [0], [0], [1], [0, 0, 1, 1], [], []>, transpose_lhs_hint = false} : vector<3136x128xf32>, vector<128x64xf32>, vector<3136x64xf32> -> vector<3136x64xf32>
    %add3A_375 = arith.addf %add3A_362, %dot_general3A_374 : vector<3136x64xf32>
    %get3A_376 = arith.constant 1 : index
    %get3A_377 = arith.constant 1 : index
    %get3A_378 = arith.constant 0 : index
    %get3A_379 = vector.load %arg6[%get3A_376, %get3A_377, %get3A_378] : memref<58x58x128xf32, #tpu.memory_space<vmem>>, vector<56x56x128xf32>
    %reshape3A_380 = vector.shape_cast %get3A_379 : vector<56x56x128xf32> to vector<3136x128xf32>
    %get3A_381 = arith.constant 10 : index
    %get3A_382 = arith.constant 0 : index
    %get3A_383 = arith.constant 0 : index
    %get3A_384 = vector.load %arg3[%get3A_381, %get3A_382, %get3A_383] : memref<16x128x64xf32, #tpu.memory_space<vmem>>, vector<1x128x64xf32>
    %get3A_385 = vector.shape_cast %get3A_384 : vector<1x128x64xf32> to vector<128x64xf32>
    %dot_general3A_386 = arith.constant dense<0.000000e+00> : vector<3136x64xf32>
    %dot_general3A_387 = tpu.matmul %reshape3A_380, %get3A_385, %dot_general3A_386 {dimension_numbers = #tpu.dot_dimension_numbers<[1], [0], [0], [1], [0, 0, 1, 1], [], []>, transpose_lhs_hint = false} : vector<3136x128xf32>, vector<128x64xf32>, vector<3136x64xf32> -> vector<3136x64xf32>
    %add3A_388 = arith.addf %add3A_375, %dot_general3A_387 : vector<3136x64xf32>
    %get3A_389 = arith.constant 0 : index
    %get3A_390 = arith.constant 0 : index
    %get3A_391 = vector.load %arg4[%get3A_389, %get3A_390] : memref<1x64xf32, #tpu.memory_space<vmem>>, vector<1x64xf32>
    %add3A_392 = vector.broadcast %get3A_391 : vector<1x64xf32> to vector<3136x64xf32>
    %add3A_393 = arith.addf %add3A_388, %add3A_392 : vector<3136x64xf32>
    %max3A_394 = arith.constant 0.000000e+00 : f32
    %max3A_395 = vector.broadcast %max3A_394 : f32 to vector<3136x64xf32>
    %max3A_396 = arith.maximumf %add3A_393, %max3A_395 : vector<3136x64xf32>
    %swap3A_397 = arith.constant 3 : index
    %swap3A_398 = arith.constant 0 : index
    %swap3A_399 = arith.constant 0 : index
    %swap3A_400 = vector.load %arg5[%swap3A_397, %swap3A_398, %swap3A_399] : memref<4x3136x64xf32, #tpu.memory_space<vmem>>, vector<1x3136x64xf32>
    %swap3A_401 = vector.shape_cast %swap3A_400 : vector<1x3136x64xf32> to vector<3136x64xf32>
    %swap3A_402 = vector.shape_cast %max3A_396 : vector<3136x64xf32> to vector<1x3136x64xf32>
    tpu.vector_store %arg5[%swap3A_397, %swap3A_398, %swap3A_399], %swap3A_402 {strides = array<i32>} : memref<4x3136x64xf32, #tpu.memory_space<vmem>>, vector<1x3136x64xf32>,
    return
  }
}

</mosaic_0001>

<sc_bundles>
// kernel: kernel.5.cloned.1.call-start
scs
__scs_entry_jumppad:
0x0: {  	(pc) =	sbr.rel $0x88, $3  }
0x1: {  	(tag) =	ssettag $0x0;
	lr =	simm.s32 $0x1  }
0x2: {  	[smem:$0x3F8F] =	sst lr;
	_ =	strace $0xD0000000  }
0x3: {  	_ = 	snop  }
0x4: {  	_ = 	snop  }
0x5: {  	_ = 	snop  }
0x6: {  	_ = 	snop  }
0x7: {  	_ = 	snop  }
__scs_overlays_trampoline_lowered:
0x8: {  	[smem:$0x3F9E] =	sst s0  }
0x9: {  	[smem:$0x3F9F] =	sst s1  }
0xa: {  	[smem:$0x3FA0] =	sst s2  }
0xb: {  	[smem:$0x3FA1] =	sst s3  }
0xc: {  	[smem:$0x3FA2] =	sst s4  }
0xd: {  	[smem:$0x3FA3] =	sst s5  }
0xe: {  	[smem:$0x3FA4] =	sst s6  }
0xf: {  	[smem:$0x3FA5] =	sst s7  }
0x10: {  	[smem:$0x3FA6] =	sst s8  }
0x11: {  	[smem:$0x3FA7] =	sst s9;
	s0 =	simm.s32 @!p0 $0x0  }
0x12: {  	s1 =	sld [smem:$0x3F8D];
	s0 =	simm.s32 @p0 $0x1  }
0x13: {  	[smem:$0x3FA8] =	sst s0;
	s0 =	simm.s32 @!p1 $0x0  }
0x14: {  	s2 =	sld [smem:$0x3F8C];
	s0 =	simm.s32 @p1 $0x1  }
0x15: {  	[smem:$0x3FA9] =	sst s0;
	s0 =	simm.s32 @!p2 $0x0  }
0x16: {  	s3 =	sld [smem:$0x3FDB];
	s0 =	simm.s32 @p2 $0x1  }
0x17: {  	s4 =	simm.s32 $0x1BF5;
	[smem:$0x3FAB] =	sst s0  }
0x18: {  	s0 =	sld [smem:$0x3F8E];
	_ =	swait.ge [sflag:s4], $0x0  }
0x19: {  	s7 =	sld [smem:$0x3F8F]  }
0x1a: {  	s8 =	sadd.s32 $0xFFFFE003, lr  }
0x1b: {  	s9 =	sadd.s32 $0xFFFFFEF7, lr;
	s5 =	simm.s32 $0xFFFFFFFF;
	p2 =	slt.u32 s8, $0xFFFFF086  }
0x1c: {  	p1 =	slt.u32 s9, $0xF7A;
	s5 =	simm.s32 @!p2 $0x0  }
0x1d: {  	s5 =	simm.s32 @p1 $0x1;
	p0 =	seq.s32 s7, s2  }
0x1e: {  	s7 =	smul.u32 @!p0 $0xF7A, s2;
	p2 =	seq.s32 @!p0 s5, $0x0  }
0x1f: {  	s9 =	smul.u32 $0xF7A, s1;
	s8 =	simm.s32 @!p0 $0x1BF5;
	p2 =	por !p2, p0  }
0x20: {  	[sflag:s8] =	ssyncset.s32 @!p0 $0xFFFFF086;
	s6 =	sadd.s32 @!p0 s3, s7;
	s7 =	simm.s32 @!p0 $0x108  }
0x21: {  	s3 =	sadd.s32 s3, s9;
	s6 =	sadd.s32 @!p0 $0x88, s6;
	s7 =	simm.s32 @p2 $0x1082  }
0x22: {  	[simem:s7], [sflag:s8] =	dma.local @!p0 [hbm:s6], $0xF7A  }
0x23: {  	s9 =	sor.u32 $0xD0000000, s2;
	s6 =	simm.s32 $0x108;
	_ =	swait.ge @!p0 [sflag:s8], $0x0  }
0x24: {  	s3 =	sadd.s32 $0x88, s3;
	s6 =	simm.s32 @!p1 $0x1082;
	[sflag:s4] =	ssyncset.s32 $0xFFFFF086  }
0x25: {  	[simem:s6], [sflag:s4] =	dma.local [hbm:s3], $0xF7A  }
0x26: {  	[smem:$0x3F8F] =	sst s1;
	(tag) =	ssettag s2;
	_ =	strace s9  }
0x27: {  	s1 =	sld [smem:$0x3F9F]  }
0x28: {  	s2 =	sld [smem:$0x3FA0]  }
0x29: {  	s4 =	sld [smem:$0x3FA2]  }
0x2a: {  	p0 =	seq.s32 s5, $0x0;
	s5 =	sld [smem:$0x3FA3]  }
0x2b: {  	s6 =	sld [smem:$0x3FA4]  }
0x2c: {  	s7 =	sld [smem:$0x3FA5]  }
0x2d: {  	s3 =	simm.s32 $0x108;
	s8 =	sld [smem:$0x3FA6]  }
0x2e: {  	s3 =	simm.s32 @!p0 $0x1082;
	s9 =	sld [smem:$0x3FA7]  }
0x2f: {  	lr =	sadd.s32 s0, s3;
	s0 =	sld [smem:$0x3F9E]  }
0x30: {  	s3 =	sld [smem:$0x3FA1]  }
0x31: {  	[smem:$0x3FAA] =	sst s10  }
0x32: {  	s10 =	sld [smem:$0x3FA8];
	_ =	sdelay $0x3  }
0x33: {  	p0 =	seq.s32 s10, $0x1;
	s10 =	sld [smem:$0x3FAA];
	_ =	sdelay $0x3  }
0x34: {  	[smem:$0x3FAA] =	sst s10  }
0x35: {  	s10 =	sld [smem:$0x3FA9];
	_ =	sdelay $0x3  }
0x36: {  	p1 =	seq.s32 s10, $0x1;
	s10 =	sld [smem:$0x3FAA];
	_ =	sdelay $0x3  }
0x37: {  	[smem:$0x3FAA] =	sst s10  }
0x38: {  	s10 =	sld [smem:$0x3FAB]  }
0x39: {  	_ = 	snop;
	(pc) =	sbr.ind lr, $3  }
0x3a: {  	_ = 	snop  }
0x3b: {  	_ = 	snop  }
0x3c: {  	p2 =	seq.s32 s10, $0x1;
	s10 =	sld [smem:$0x3FAA]  }
0x3d: {  	_ =	shalt  }
0x3e: {  	_ =	shalt  }
0x3f: {  	_ =	shalt  }
0x40: {  	_ =	shalt  }
0x41: {  	_ =	shalt  }
0x42: {  	_ =	shalt  }
0x43: {  	_ =	shalt  }
0x44: {  	_ =	shalt  }
0x45: {  	_ =	shalt  }
0x46: {  	_ =	shalt  }
0x47: {  	_ =	shalt  }
0x48: {  	_ =	shalt  }
0x49: {  	_ =	shalt  }
0x4a: {  	_ =	shalt  }
0x4b: {  	_ =	shalt  }
0x4c: {  	_ =	shalt  }
0x4d: {  	_ =	shalt  }
0x4e: {  	_ =	shalt  }
0x4f: {  	_ =	shalt  }
0x50: {  	_ =	shalt  }
0x51: {  	_ =	shalt  }
0x52: {  	_ =	shalt  }
0x53: {  	_ =	shalt  }
0x54: {  	_ =	shalt  }
0x55: {  	_ =	shalt  }
0x56: {  	_ =	shalt  }
0x57: {  	_ =	shalt  }
0x58: {  	_ =	shalt  }
0x59: {  	_ =	shalt  }
0x5a: {  	_ =	shalt  }
0x5b: {  	_ =	shalt  }
0x5c: {  	_ =	shalt  }
0x5d: {  	_ =	shalt  }
0x5e: {  	_ =	shalt  }
0x5f: {  	_ =	shalt  }
0x60: {  	_ =	shalt  }
0x61: {  	_ =	shalt  }
0x62: {  	_ =	shalt  }
0x63: {  	_ =	shalt  }
0x64: {  	_ =	shalt  }
0x65: {  	_ =	shalt  }
0x66: {  	_ =	shalt  }
0x67: {  	_ =	shalt  }
0x68: {  	_ =	shalt  }
0x69: {  	_ =	shalt  }
0x6a: {  	_ =	shalt  }
0x6b: {  	_ =	shalt  }
0x6c: {  	_ =	shalt  }
0x6d: {  	_ =	shalt  }
0x6e: {  	_ =	shalt  }
0x6f: {  	_ =	shalt  }
0x70: {  	_ =	shalt  }
0x71: {  	_ =	shalt  }
0x72: {  	_ =	shalt  }
0x73: {  	_ =	shalt  }
0x74: {  	_ =	shalt  }
0x75: {  	_ =	shalt  }
0x76: {  	_ =	shalt  }
0x77: {  	_ =	shalt  }
0x78: {  	_ =	shalt  }
0x79: {  	_ =	shalt  }
0x7a: {  	_ =	shalt  }
0x7b: {  	_ =	shalt  }
0x7c: {  	_ =	shalt  }
0x7d: {  	_ =	shalt  }
0x7e: {  	_ =	shalt  }
0x7f: {  	_ =	shalt  }
0x80: {  	_ =	shalt  }
0x81: {  	_ =	shalt  }
0x82: {  	_ =	shalt  }
0x83: {  	_ =	shalt  }
0x84: {  	_ =	shalt  }
0x85: {  	_ =	shalt  }
0x86: {  	_ =	shalt  }
0x87: {  	_ =	shalt  }
.Lfunc_end0:
.L_simem_size_0:
called_computation_lowered:
.L_overlay_start_0:
0x88: {  	s2 =	sld [smem:$0x3FD9]  }
0x89: {  	s3 =	sld [smem:$0x3FFE];
	_ =	sdelay $0x1  }
0x8a: {  	s1 =	srdreg.scid  }
0x8b: {  	s0 =	sand.u32 $0x1, s1  }
0x8c: {  	s14 =	sshll.u32 s0, $0xA;
	s2 =	sadd.s32 s3, s2  }
0x8d: {  	s2 =	sadd.s32 s2, s14  }
0x8e: {  	[smem:$0x3FB6] =	sst s2  }
0x8f: {  	_ = 	snop  }
0x90: {  	s2 =	sld [smem:$0x3FD0];
	_ =	sdelay $0x2  }
0x91: {  	s4 =	simm.s32 $0xA;
	s5 =	simm.s32 $0x10;
	s15 =	sld [smem:$0x3FBE]  }
0x92: {  	[smem:s5], [sflag:s4] =	dma.local [hbm:s2], $0x1  }
0x93: {  	_ =	swait.eq [sflag:s4], $0x1  }
0x94: {  	[sflag:s4] =	ssyncset.done $0x0  }
0x95: {  	[sflag:s4] =	ssyncadd.s32 $0xFFFFFFFF  }
0x96: {  	s16 =	sld [smem:$0x10];
	(tm) =	ssettm $0x1  }
0x97: {  	s17 =	sld [smem:$0x3FFB];
	_ =	sdelay $0x3  }
0x98: {  	_ =	strace s17  }
0x99: {  	s4 =	sld [smem:$0x3FFC];
	_ =	sdelay $0x3  }
0x9a: {  	_ =	strace s4  }
0x9b: {  	s4 =	sld [smem:$0x3FFD];
	_ =	sdelay $0x3  }
0x9c: {  	_ =	strace s4  }
0x9d: {  	_ =	strace $0x8FFFFFFF  }
0x9e: {  	s18 =	sld [smem:$0x3FDB];
	_ =	sdelay $0x1  }
0x9f: {  	s19 =	simm.s32 $_scs_section_size  }
0xa0: {  	s6 =	simm.s32 $_size__tile_overlayer_lowered;
	s7 =	simm.s32 $_tile_overlayer_lowered  }
0xa1: {  	s22 =	simm.s32 $0x1BFF;
	s21 =	sshll.u32 s7, $0x1;
	s4 =	sadd.s32 s19, s18  }
0xa2: {  	s8 =	simm.s32 $0x0;
	s20 =	sshll.u32 s6, $0x1;
	s6 =	sadd.s32 s21, s4  }
0xa3: {  	[timem:s8], [sflag:s22] =	dma.local [hbm:s6], s20  }
0xa4: {  	_ =	swait.ge [sflag:s22], s20  }
0xa5: {  	s5 =	ssub.s32 $0x0, s20;
	[sflag:s22] =	ssyncset.done $0x0  }
0xa6: {  	[sflag:s22] =	ssyncadd.s32 s5;
	_ =	sdelay $0x1  }
0xa7: {  	s23 =	simm.s32 $0x1B8B  }
0xa8: {  	_ =	swait.ge [sflag:s23], $0x1  }
0xa9: {  	[sflag:s23] =	ssyncset.done $0x0  }
0xaa: {  	s25 =	simm.s32 $0x1B8E;
	s24 =	sld [smem:$0x3FFE];
	[sflag:s23] =	ssyncadd.s32 $0xFFFFFFFF  }
0xab: {  	s26 =	simm.s32 $execute0_lowered;
	[smem:$0x3FD2] =	sst s25  }
0xac: {  	s6 =	sshll.u32 s26, $0x1;
	_ =	strace $0x80000046;
	[dreg:$0x1] =	wrdreg $0xFFFFFFFF  }
0xad: {  	s28 =	simm.s32 $_size_execute0_lowered;
	s4 =	sadd.s32 s4, s6;
	[dreg:$0x0] =	wrdreg $0x0  }
0xae: {  	s6 =	sshll.u32 s28, $0x1;
	[dreg:$0x2] =	wrdreg s4  }
0xaf: {  	[dreg:$0x3] =	wrdreg s6  }
0xb0: {  	[dreg:$0x4] =	wrdreg $0xC0  }
0xb1: {  	_ =	task [dreg:s8], $0x5FFFF  }
0xb2: {  	[dreg:$0x1] =	wrdreg $0xFFFFFFFF  }
0xb3: {  	[dreg:$0x0] =	wrdreg $0x60  }
0xb4: {  	[dreg:$0x2] =	wrdreg s15  }
0xb5: {  	[dreg:$0x3] =	wrdreg s16  }
0xb6: {  	[dreg:$0x4] =	wrdreg s24  }
0xb7: {  	[dreg:$0x5] =	wrdreg $0x9  }
0xb8: {  	_ =	task.clear_ibuf [dreg:s8], $0x6FFFF;
	_ =	strace $0x90000046  }
0xb9: {  	s29 =	simm.s32 $0x9;
	_ =	strace $0x80000048  }
0xba: {  	_ =	swait.ge [sflag:s29], $0x1  }
0xbb: {  	[sflag:s29] =	ssyncadd.s32 $0xFFFFFFFF  }
0xbc: {  	_ =	strace $0x90000048  }
0xbd: {  	_ =	sfence  }
0xbe: {  	s30 =	sld [smem:$0x0];
	_ =	sdelay $0x2  }
0xbf: {  	s31 =	sshll.u32 s1, $0xD;
	s1 =	sshrl.u32 s1, $0x2  }
0xc0: {  	s3 =	sand.u32 $0x4000, s31;
	s1 =	sadd.s32 s1, s30  }
0xc1: {  	s0 =	sor.u32 s3, s0;
	s1 =	sshll.u32 s1, $0x11  }
0xc2: {  	s0 =	sor.u32 s1, s0  }
0xc3: {  	s0 =	sadd.s32 $0x8F2B, s0  }
0xc4: {  	[sflag:s0] =	ssyncadd.remote.s32 $0x1  }
0xc5: {  	_ =	sfence.sel $0xFFFF  }
0xc6: {  	[dreg:$0x0] =	wrdreg $0xFFFFFFFF;
	(pc) =	sbr.abs _section_cstart, $3  }
0xc7: {  	[dreg:$0x1] =	wrdreg $0xFFFFFFFF  }
0xc8: {  	_ =	task.clear_ibuf [dreg:s8], $0x2FFFF;
	_ =	strace $0x9FFFFFFF  }
0xc9: {  	(tm) =	ssettm $0x7FFFFFFF  }
tec
execute0_lowered:
.L_overlay_start_1:
0x0: {  	(tag) =	ssettag $0x1  }
0x1: {  	s1 =	rddreg [dreg:$0x0]  }
0x2: {  	s2 =	srdreg.scid;
	s0 =	stileid.u32  }
0x3: {  	s4 =	rddreg [dreg:$0x1];
	s6 =	sand.u32 $0x1, s2;
	s30 =	sshll.u32 s0, $0x1  }
0x4: {  	s9 =	rddreg [dreg:$0x2];
	s3 =	simm.s32 $0x0;
	s7 =	sor.u32 s6, s30  }
0x5: {  	s8 =	simm.s32 $0x1;
	[smem:$0x7FF] =	sst s3;
	s5 =	smul.u32 $0xD, s7  }
0x6: {  	s2 =	rddreg [dreg:$0x3];
	_ =	strace $0x80000047;
	s11 =	ssub.s32 $0x2, s6  }
0x7: {  	s6 =	simm.s32 $0x68;
	s5 =	sadd.s32 s4, s5;
	s4 =	simm.s32 $0x2  }
0x8: {  	[tilespmem:s3], [sflag:$0x2] =	stream.linear.gather [hbm4b:s5+s3], $0x68, $0x38;
	[tilespmem:$0x3480] =	vst v63  }
0x9: {  	s10 =	smul.u32 $0x680, s7;
	s12 =	sshrl.u32 s11, $0x1;
	_ =	swait.ge [sflag:s4], $0x68  }
0xa: {  	s7 =	simm.s32 $0x80;
	s31 =	ssub.s32 s11, s12;
	[sflag:s4] =	ssyncset.done $0x0  }
0xb: {  	s9 =	sadd.s32 s10, s9;
	s10 =	smax.u32 s31, $0x1;
	[sflag:s4] =	ssyncadd.s32 $0xFFFFFF98  }
0xc: {  	[tilespmem:s7], [sflag:$0x1] =	stream.indirect.gather [hbm4b:s1+s6], $0x80, s3, s6, $0xb8;
	[tilespmem:$0x3480] =	vst v63  }
0xd: {  	p0 =	sne.s32 s10, $0x1;
	_ =	swait.ge [sflag:s8], $0x3400  }
.Ltmp0:
0xe: {  	[sflag:s8] =	ssyncset.done $0x0;
	(pc) =	sbr.rel @!p0 .LBB2_2-.Ltmp0, $4  }
0xf: {  	s9 =	sadd.s32 $0xA00, s9;
	[sflag:s8] =	ssyncadd.s32 $0xFFFFCC00  }
0x10: {  	[hbm4b:s9+s3] =	stream.linear.scatter [tilespmem:s7], [sflag:$0x2], $0x3400, $0x38;
	[tilespmem:$0x3480] =	vst v63  }
0x11: {  	_ =	swait.ge [sflag:s4], $0x3400  }
0x12: {  	s10 =	sadd.s32 $0xFFFFFFFF, s10;
	[sflag:s4] =	ssyncset.done $0x0  }
.LBB2_1:
0x13: {  	p0 =	sne.s32 s10, $0x1;
	s10 =	sadd.s32 $0xFFFFFFFF, s10;
	[sflag:s4] =	ssyncadd.s32 $0xFFFFCC00  }
0x14: {  	[tilespmem:s3], [sflag:$0x2] =	stream.linear.gather [hbm4b:s5+s3], $0x68, $0x38;
	[tilespmem:$0x3480] =	vst v63  }
0x15: {  	_ =	swait.ge [sflag:s4], $0x68  }
0x16: {  	[sflag:s4] =	ssyncset.done $0x0  }
0x17: {  	[sflag:s4] =	ssyncadd.s32 $0xFFFFFF98  }
0x18: {  	[tilespmem:s7], [sflag:$0x1] =	stream.indirect.gather [hbm4b:s1+s6], $0x80, s3, s6, $0xb8;
	[tilespmem:$0x3480] =	vst v63  }
0x19: {  	_ =	swait.ge [sflag:s8], $0x3400  }
.Ltmp1:
0x1a: {  	[sflag:s8] =	ssyncset.done $0x0;
	(pc) =	sbr.rel @p0 .LBB2_1-.Ltmp1, $4  }
0x1b: {  	[sflag:s8] =	ssyncadd.s32 $0xFFFFCC00  }
0x1c: {  	[hbm4b:s9+s3] =	stream.linear.scatter [tilespmem:s7], [sflag:$0x2], $0x3400, $0x38;
	[tilespmem:$0x3480] =	vst v63  }
0x1d: {  	_ =	swait.ge [sflag:s4], $0x3400  }
0x1e: {  	[sflag:s4] =	ssyncset.done $0x0  }
.LBB2_2:
0x1f: {  	[sflag:s4] =	ssyncadd.s32 $0xFFFFCC00  }
0x20: {  	_ =	sfence.sel $0x180000  }
0x21: {  	[bflag:$0x0] =	sbarrier.arrive $0xFFFF  }
0x22: {  	p0 =	sne.s32 s0, $0x0;
	_ =	strace $0x90000047  }
0x23: {  	s0 =	sadd.s32 @!p0 $0x100000, s2;
	[bflag:$0x2] =	sbarrier.arrive $0xFFFF  }
0x24: {  	[sflag:s0] =	ssyncadd.tile.s32 @!p0 $0x1;
	_ =	shalt  }
.Lfunc_end2:
_tile_overlayer_lowered:
.L_overlay_start_2:
0x25: {  	(tag) =	ssettag $0x2  }
0x26: {  	s0 =	rddreg [dreg:$0x0];
	s2 =	stileid.u32  }
0x27: {  	s1 =	rddreg [dreg:$0x1];
	p0 =	sne.s32 s2, $0x0  }
0x28: {  	s3 =	rddreg [dreg:$0x2];
	[bflag:$0x3] =	sbarrier.arrive $0xFFFF;
	s2 =	simm.s32 @!p0 $0x1C02  }
0x29: {  	[timem:s3], [sflag:s2] =	dma.local @!p0 [hbm:s0], s1  }
0x2a: {  	s0 =	simm.s32 @!p0 $0x2  }
0x2b: {  	_ =	swait.ge @!p0 [sflag:s0], s1  }
0x2c: {  	s1 =	ssub.s32 @!p0 $0x0, s1;
	[sflag:s0] =	ssyncset.done @!p0 $0x0  }
0x2d: {  	[sflag:s0] =	ssyncadd.s32 @!p0 s1  }
0x2e: {  	[bflag:$0x3] =	sbarrier.arrive $0xFFFF  }
0x2f: {  	_ =	shalt  }

</sc_bundles>
